<compile_context>
chip_gen: v7x
topology: tpu7x:2x2x1
jax: 0.10.2.dev20260603
libtpu: 0.0.44.dev20260713+nightly
codegen_flags: <defaults>
</compile_context>

<pallas_src>
import functools

import jax
import jax.numpy as jnp
from jax import lax
from jax.experimental import pallas as pl
from jax.experimental.pallas import tpu as pltpu
from jax.experimental.pallas import tpu_sc as plsc

NUM_NODES = 100000
H_DIM = 128
CHUNK = 128
NCHUNK = (NUM_NODES + CHUNK - 1) // CHUNK
TAIL = NUM_NODES - (NCHUNK - 1) * CHUNK
NW = 32
SLOTS = 25
BIG = NCHUNK // NW + 1
NBIGW = NCHUNK - NW * (BIG - 1)
LAST_START = (NW - 1) * (BIG - 1) + NBIGW
LASTN = NUM_NODES - LAST_START * CHUNK
NBUF = 7
WD = 2


def _gather_body(idx_hbm, table_hbm, out_hbm, idx_v, rows_v, gsems, wsems):
    wid = lax.axis_index("s") * 2 + lax.axis_index("c")
    start = wid * (BIG - 1) + jnp.minimum(wid, NBIGW)
    n_full = jnp.where(wid < NBIGW, BIG, BIG - 1)
    n_full = jnp.where(wid == NW - 1, BIG - 2, n_full)
    last_w = wid == NW - 1

    HEAD = 8 * CHUNK
    pltpu.sync_copy(idx_hbm.at[pl.ds(start * CHUNK, HEAD)],
                    idx_v.at[pl.ds(0, HEAD)])

    def gdesc(s, b):
        return pltpu.make_async_copy(
            table_hbm.at[idx_v.at[pl.ds(s * CHUNK, CHUNK)]],
            rows_v.at[b], gsems.at[b])

    def wdesc(s, b):
        return pltpu.make_async_copy(
            rows_v.at[b], out_hbm.at[pl.ds((start + s) * CHUNK, CHUNK)],
            wsems.at[b])

    def fire(s):
        @pl.when(s < n_full)
        def _():
            gdesc(s, lax.rem(s, NBUF)).start()

    for k in range(NBUF):
        fire(jnp.int32(k))

    @pl.when(jnp.logical_not(last_w))
    def _():
        pltpu.sync_copy(
            idx_hbm.at[pl.ds(start * CHUNK + HEAD, SLOTS * CHUNK - HEAD)],
            idx_v.at[pl.ds(HEAD, SLOTS * CHUNK - HEAD)])

    @pl.when(last_w)
    def _():
        pltpu.sync_copy(
            idx_hbm.at[pl.ds(LAST_START * CHUNK + HEAD, LASTN - HEAD)],
            idx_v.at[pl.ds(HEAD, LASTN - HEAD)])

    def body(s, carry):
        @pl.when(s >= WD)
        def _():
            wdesc(s - WD, lax.rem(s - WD, NBUF)).wait()
            fire(s - WD + NBUF)

        b = lax.rem(s, NBUF)
        gdesc(s, b).wait()
        wdesc(s, b).start()
        return carry

    lax.fori_loop(0, n_full, body, 0)

    for k in range(WD):
        wdesc(n_full - WD + k, lax.rem(n_full - WD + k, NBUF)).wait()

    @pl.when(last_w)
    def _():
        g = pltpu.make_async_copy(
            table_hbm.at[idx_v.at[pl.ds((BIG - 2) * CHUNK, TAIL)]],
            rows_v.at[0].at[pl.ds(0, TAIL)], gsems.at[0])
        g.start()
        g.wait()
        pltpu.sync_copy(rows_v.at[0].at[pl.ds(0, TAIL)],
                        out_hbm.at[pl.ds((NCHUNK - 1) * CHUNK, TAIL)])


_mesh = plsc.VectorSubcoreMesh(core_axis_name="c", subcore_axis_name="s")

_gather = functools.partial(
    pl.kernel,
    mesh=_mesh,
    out_type=jax.ShapeDtypeStruct((NUM_NODES, H_DIM), jnp.float32),
    scratch_types=[
        pltpu.VMEM((SLOTS * CHUNK,), jnp.int32),
        pltpu.VMEM((NBUF, CHUNK, H_DIM), jnp.float32),
        pltpu.SemaphoreType.DMA((NBUF,)),
        pltpu.SemaphoreType.DMA((NBUF,)),
    ],
)(_gather_body)


@jax.jit
def kernel(g, h, r, norm, W):
    idx = h.reshape(-1).astype(jnp.int32)
    return _gather(idx, W)

# --- scband reference (transcript-rebuilt; emitter-appended) ---
"""Pipeline reference for scband-embedding-layer-13331578487267 (READ-ONLY COPY).

The authoritative reference and input builder live on the scoring server;
editing this copy changes nothing except your own understanding.
"""

import jax, jax.numpy as jnp
import numpy as np

NUM_NODES = 100000
H_DIM = 128

def setup_inputs(seed: int = 0) -> dict:
    key = jax.random.key(seed)
    k1, k2, k3, k4 = jax.random.split(key, 4)
    g = jnp.zeros((1,), dtype=jnp.float32)
    h = jax.random.randint(k1, (NUM_NODES, 1), 0, NUM_NODES, dtype=jnp.int64)
    r = jax.random.randint(k2, (NUM_NODES,), 0, 16, dtype=jnp.int64)
    norm = jax.random.uniform(k3, (NUM_NODES, 1), dtype=jnp.float32)
    # Embedding table parameter (nn.Embedding weight), normal init like torch default
    W = jax.random.normal(k4, (NUM_NODES, H_DIM), dtype=jnp.float32)
    return {"g": g, "h": h, "r": r, "norm": norm, "W": W}

def reference(g, h, r, norm, W):
    # forward: self.embedding(h.squeeze())
    idx = jnp.squeeze(h)
    return jnp.take(W, idx, axis=0)

if __name__ == "__main__":
    import jax
    _d = setup_inputs()
    print(jax.jit(kernel)(*tuple(_d.values())))

</pallas_src>

<mosaic_0001>
#map = affine_map<(d0, d1) -> (0)>
#map1 = affine_map<(d0, d1) -> (0, 0)>
module attributes {stable_mosaic.version = 14 : i64} {
  func.func @_gather_body(%arg0: i32, %arg1: i32, %arg2: memref<100000xi32, #tpu.memory_space<hbm>>, %arg3: memref<100000x128xf32, #tpu.memory_space<hbm>>, %arg4: memref<100000x128xf32, #tpu.memory_space<hbm>>, %arg5: memref<3200xi32, #tpu.memory_space<vmem>>, %arg6: memref<7x128x128xf32, #tpu.memory_space<vmem>>, %arg7: memref<7x!tpu.dma_semaphore, #tpu.memory_space<semaphore_mem>>, %arg8: memref<7x!tpu.dma_semaphore, #tpu.memory_space<semaphore_mem>>) attributes {dimension_semantics = [#tpu.dimension_semantics<core_parallel>, #tpu.dimension_semantics<subcore_parallel>], iteration_bounds = array<i64: 2, 16>, scalar_prefetch = 0 : i64, scratch_operands = 4 : i64, tpu.core_type = #tpu.core_type<sc_vector_subcore>, window_params = [{transform_indices = #map}, {transform_indices = #map1}, {transform_indices = #map1}]} {
    %mul3A = arith.constant 2 : i32
    %mul3A_0 = arith.muli %arg1, %mul3A : i32
    %add3A = arith.addi %mul3A_0, %arg0 : i32
    %mul3A_1 = arith.constant 24 : i32
    %mul3A_2 = arith.muli %add3A, %mul3A_1 : i32
    %min3A = arith.constant 14 : i32
    %min3A_3 = arith.minsi %add3A, %min3A : i32
    %add3A_4 = arith.addi %mul3A_2, %min3A_3 : i32
    %lt3A = arith.constant 14 : i32
    %lt3A_5 = arith.cmpi slt, %add3A, %lt3A : i32
    %jit3A = arith.constant 25 : i32
    %jit3A_6 = arith.constant 24 : i32
    %select_n3A = arith.select %lt3A_5, %jit3A, %jit3A_6 : i32
    %eq3A = arith.constant 31 : i32
    %eq3A_7 = arith.cmpi eq, %add3A, %eq3A : i32
    %jit3A_8 = arith.constant 23 : i32
    %select_n3A_9 = arith.select %eq3A_7, %jit3A_8, %select_n3A : i32
    %eq3A_10 = arith.constant 31 : i32
    %eq3A_11 = arith.cmpi eq, %add3A, %eq3A_10 : i32
    %mul3A_12 = arith.constant 128 : i32
    %mul3A_13 = arith.muli %add3A_4, %mul3A_12 : i32
    "tpu.region"() ({
      %run_scoped3A = tpu.sem_alloc : memref<!tpu.dma_semaphore, #tpu.memory_space<semaphore_mem>>
      %dma_start3A = arith.constant 0 : i32
      %dma_start3A_124 = tpu.memref_slice %arg5[%dma_start3A] : memref<3200xi32, #tpu.memory_space<vmem>> -> memref<1024xi32, #tpu.memory_space<vmem>>
      %dma_start3A_125 = tpu.memref_slice %arg2[%mul3A_13] : memref<100000xi32, #tpu.memory_space<hbm>> -> memref<1024xi32, #tpu.memory_space<hbm>>
      %dma_start3A_126 = arith.constant 0 : i32
      %dma_start3A_127 = tpu.memref_slice %arg5[%dma_start3A_126] : memref<3200xi32, #tpu.memory_space<vmem>> -> memref<1024xi32, #tpu.memory_space<vmem>>
      %dma_start3A_128 = tpu.memref_slice %arg2[%mul3A_13] : memref<100000xi32, #tpu.memory_space<hbm>> -> memref<1024xi32, #tpu.memory_space<hbm>>
      tpu.enqueue_dma source(%dma_start3A_128 : memref<1024xi32, #tpu.memory_space<hbm>>) target(%dma_start3A_127 : memref<1024xi32, #tpu.memory_space<vmem>>) target_semaphore(%run_scoped3A : memref<!tpu.dma_semaphore, #tpu.memory_space<semaphore_mem>>)
      %dma_wait3A_129 = arith.constant 0 : i32
      %dma_wait3A_130 = tpu.memref_slice %arg5[%dma_wait3A_129] : memref<3200xi32, #tpu.memory_space<vmem>> -> memref<1024xi32, #tpu.memory_space<vmem>>
      %dma_wait3A_131 = tpu.memref_slice %arg2[%mul3A_13] : memref<100000xi32, #tpu.memory_space<hbm>> -> memref<1024xi32, #tpu.memory_space<hbm>>
      %dma_wait3A_132 = arith.constant 0 : i32
      %dma_wait3A_133 = tpu.memref_slice %arg5[%dma_wait3A_132] : memref<3200xi32, #tpu.memory_space<vmem>> -> memref<1024xi32, #tpu.memory_space<vmem>>
      %dma_wait3A_134 = tpu.memref_slice %arg2[%mul3A_13] : memref<100000xi32, #tpu.memory_space<hbm>> -> memref<1024xi32, #tpu.memory_space<hbm>>
      tpu.wait_dma2 semaphore(%run_scoped3A : memref<!tpu.dma_semaphore, #tpu.memory_space<semaphore_mem>>) src(%dma_wait3A_134 : memref<1024xi32, #tpu.memory_space<hbm>>) dst(%dma_wait3A_133 : memref<1024xi32, #tpu.memory_space<vmem>>)
      tpu.yield
    }) : () -> ()
    %lt3A_14 = arith.constant 0 : i32
    %lt3A_15 = arith.cmpi slt, %lt3A_14, %select_n3A_9 : i32
    %convert_element_type3A = arith.extui %lt3A_15 : i1 to i32
    %cond3A = arith.constant 0 : i32
    %cond3A_16 = arith.constant 0 : i32
    %cond3A_17 = arith.cmpi ne, %convert_element_type3A, %cond3A_16 : i32
    scf.if %cond3A_17 {
      %rem3A_124 = arith.constant 7 : i32
      %rem3A_125 = arith.remsi %cond3A, %rem3A_124 : i32
      %mul3A_126 = arith.constant 128 : i32
      %mul3A_127 = arith.muli %cond3A, %mul3A_126 : i32
      %dma_start3A = arith.constant 0 : i32
      %dma_start3A_128 = arith.constant 0 : i32
      %dma_start3A_129 = tpu.memref_slice %arg6[%rem3A_125, %dma_start3A, %dma_start3A_128] : memref<7x128x128xf32, #tpu.memory_space<vmem>> -> memref<1x128x128xf32, #tpu.memory_space<vmem>>
      %dma_start3A_130 = tpu.memref_squeeze %dma_start3A_129 : memref<1x128x128xf32, #tpu.memory_space<vmem>> -> memref<128x128xf32, #tpu.memory_space<vmem>>
      %dma_start3A_131 = tpu.memref_slice %arg5[%mul3A_127] : memref<3200xi32, #tpu.memory_space<vmem>> -> memref<128xi32, #tpu.memory_space<vmem>>
      %dma_start3A_132 = arith.constant 0 : i32
      %dma_start3A_133 = arith.constant 0 : i32
      %dma_start3A_134 = tpu.memref_slice %arg3[%dma_start3A_132, %dma_start3A_133] : memref<100000x128xf32, #tpu.memory_space<hbm>> -> memref<100000x128xf32, #tpu.memory_space<hbm>>
      %dma_start3A_135 = tpu.memref_slice %arg7[%rem3A_125] : memref<7x!tpu.dma_semaphore, #tpu.memory_space<semaphore_mem>> -> memref<1x!tpu.dma_semaphore, #tpu.memory_space<semaphore_mem>>
      %dma_start3A_136 = tpu.memref_squeeze %dma_start3A_135 : memref<1x!tpu.dma_semaphore, #tpu.memory_space<semaphore_mem>> -> memref<!tpu.dma_semaphore, #tpu.memory_space<semaphore_mem>>
      tpu.enqueue_indirect_dma source(%dma_start3A_134 : memref<100000x128xf32, #tpu.memory_space<hbm>>) target(%dma_start3A_130 : memref<128x128xf32, #tpu.memory_space<vmem>>) offsets(%dma_start3A_131 : memref<128xi32, #tpu.memory_space<vmem>>) semaphore(%dma_start3A_136 : memref<!tpu.dma_semaphore, #tpu.memory_space<semaphore_mem>>)
    } else {
    }
    %lt3A_18 = arith.constant 1 : i32
    %lt3A_19 = arith.cmpi slt, %lt3A_18, %select_n3A_9 : i32
    %convert_element_type3A_20 = arith.extui %lt3A_19 : i1 to i32
    %cond3A_21 = arith.constant 1 : i32
    %cond3A_22 = arith.constant 0 : i32
    %cond3A_23 = arith.cmpi ne, %convert_element_type3A_20, %cond3A_22 : i32
    scf.if %cond3A_23 {
      %rem3A_124 = arith.constant 7 : i32
      %rem3A_125 = arith.remsi %cond3A_21, %rem3A_124 : i32
      %mul3A_126 = arith.constant 128 : i32
      %mul3A_127 = arith.muli %cond3A_21, %mul3A_126 : i32
      %dma_start3A = arith.constant 0 : i32
      %dma_start3A_128 = arith.constant 0 : i32
      %dma_start3A_129 = tpu.memref_slice %arg6[%rem3A_125, %dma_start3A, %dma_start3A_128] : memref<7x128x128xf32, #tpu.memory_space<vmem>> -> memref<1x128x128xf32, #tpu.memory_space<vmem>>
      %dma_start3A_130 = tpu.memref_squeeze %dma_start3A_129 : memref<1x128x128xf32, #tpu.memory_space<vmem>> -> memref<128x128xf32, #tpu.memory_space<vmem>>
      %dma_start3A_131 = tpu.memref_slice %arg5[%mul3A_127] : memref<3200xi32, #tpu.memory_space<vmem>> -> memref<128xi32, #tpu.memory_space<vmem>>
      %dma_start3A_132 = arith.constant 0 : i32
      %dma_start3A_133 = arith.constant 0 : i32
      %dma_start3A_134 = tpu.memref_slice %arg3[%dma_start3A_132, %dma_start3A_133] : memref<100000x128xf32, #tpu.memory_space<hbm>> -> memref<100000x128xf32, #tpu.memory_space<hbm>>
      %dma_start3A_135 = tpu.memref_slice %arg7[%rem3A_125] : memref<7x!tpu.dma_semaphore, #tpu.memory_space<semaphore_mem>> -> memref<1x!tpu.dma_semaphore, #tpu.memory_space<semaphore_mem>>
      %dma_start3A_136 = tpu.memref_squeeze %dma_start3A_135 : memref<1x!tpu.dma_semaphore, #tpu.memory_space<semaphore_mem>> -> memref<!tpu.dma_semaphore, #tpu.memory_space<semaphore_mem>>
      tpu.enqueue_indirect_dma source(%dma_start3A_134 : memref<100000x128xf32, #tpu.memory_space<hbm>>) target(%dma_start3A_130 : memref<128x128xf32, #tpu.memory_space<vmem>>) offsets(%dma_start3A_131 : memref<128xi32, #tpu.memory_space<vmem>>) semaphore(%dma_start3A_136 : memref<!tpu.dma_semaphore, #tpu.memory_space<semaphore_mem>>)
    } else {
    }
    %lt3A_24 = arith.constant 2 : i32
    %lt3A_25 = arith.cmpi slt, %lt3A_24, %select_n3A_9 : i32
    %convert_element_type3A_26 = arith.extui %lt3A_25 : i1 to i32
    %cond3A_27 = arith.constant 2 : i32
    %cond3A_28 = arith.constant 0 : i32
    %cond3A_29 = arith.cmpi ne, %convert_element_type3A_26, %cond3A_28 : i32
    scf.if %cond3A_29 {
      %rem3A_124 = arith.constant 7 : i32
      %rem3A_125 = arith.remsi %cond3A_27, %rem3A_124 : i32
      %mul3A_126 = arith.constant 128 : i32
      %mul3A_127 = arith.muli %cond3A_27, %mul3A_126 : i32
      %dma_start3A = arith.constant 0 : i32
      %dma_start3A_128 = arith.constant 0 : i32
      %dma_start3A_129 = tpu.memref_slice %arg6[%rem3A_125, %dma_start3A, %dma_start3A_128] : memref<7x128x128xf32, #tpu.memory_space<vmem>> -> memref<1x128x128xf32, #tpu.memory_space<vmem>>
      %dma_start3A_130 = tpu.memref_squeeze %dma_start3A_129 : memref<1x128x128xf32, #tpu.memory_space<vmem>> -> memref<128x128xf32, #tpu.memory_space<vmem>>
      %dma_start3A_131 = tpu.memref_slice %arg5[%mul3A_127] : memref<3200xi32, #tpu.memory_space<vmem>> -> memref<128xi32, #tpu.memory_space<vmem>>
      %dma_start3A_132 = arith.constant 0 : i32
      %dma_start3A_133 = arith.constant 0 : i32
      %dma_start3A_134 = tpu.memref_slice %arg3[%dma_start3A_132, %dma_start3A_133] : memref<100000x128xf32, #tpu.memory_space<hbm>> -> memref<100000x128xf32, #tpu.memory_space<hbm>>
      %dma_start3A_135 = tpu.memref_slice %arg7[%rem3A_125] : memref<7x!tpu.dma_semaphore, #tpu.memory_space<semaphore_mem>> -> memref<1x!tpu.dma_semaphore, #tpu.memory_space<semaphore_mem>>
      %dma_start3A_136 = tpu.memref_squeeze %dma_start3A_135 : memref<1x!tpu.dma_semaphore, #tpu.memory_space<semaphore_mem>> -> memref<!tpu.dma_semaphore, #tpu.memory_space<semaphore_mem>>
      tpu.enqueue_indirect_dma source(%dma_start3A_134 : memref<100000x128xf32, #tpu.memory_space<hbm>>) target(%dma_start3A_130 : memref<128x128xf32, #tpu.memory_space<vmem>>) offsets(%dma_start3A_131 : memref<128xi32, #tpu.memory_space<vmem>>) semaphore(%dma_start3A_136 : memref<!tpu.dma_semaphore, #tpu.memory_space<semaphore_mem>>)
    } else {
    }
    %lt3A_30 = arith.constant 3 : i32
    %lt3A_31 = arith.cmpi slt, %lt3A_30, %select_n3A_9 : i32
    %convert_element_type3A_32 = arith.extui %lt3A_31 : i1 to i32
    %cond3A_33 = arith.constant 3 : i32
    %cond3A_34 = arith.constant 0 : i32
    %cond3A_35 = arith.cmpi ne, %convert_element_type3A_32, %cond3A_34 : i32
    scf.if %cond3A_35 {
      %rem3A_124 = arith.constant 7 : i32
      %rem3A_125 = arith.remsi %cond3A_33, %rem3A_124 : i32
      %mul3A_126 = arith.constant 128 : i32
      %mul3A_127 = arith.muli %cond3A_33, %mul3A_126 : i32
      %dma_start3A = arith.constant 0 : i32
      %dma_start3A_128 = arith.constant 0 : i32
      %dma_start3A_129 = tpu.memref_slice %arg6[%rem3A_125, %dma_start3A, %dma_start3A_128] : memref<7x128x128xf32, #tpu.memory_space<vmem>> -> memref<1x128x128xf32, #tpu.memory_space<vmem>>
      %dma_start3A_130 = tpu.memref_squeeze %dma_start3A_129 : memref<1x128x128xf32, #tpu.memory_space<vmem>> -> memref<128x128xf32, #tpu.memory_space<vmem>>
      %dma_start3A_131 = tpu.memref_slice %arg5[%mul3A_127] : memref<3200xi32, #tpu.memory_space<vmem>> -> memref<128xi32, #tpu.memory_space<vmem>>
      %dma_start3A_132 = arith.constant 0 : i32
      %dma_start3A_133 = arith.constant 0 : i32
      %dma_start3A_134 = tpu.memref_slice %arg3[%dma_start3A_132, %dma_start3A_133] : memref<100000x128xf32, #tpu.memory_space<hbm>> -> memref<100000x128xf32, #tpu.memory_space<hbm>>
      %dma_start3A_135 = tpu.memref_slice %arg7[%rem3A_125] : memref<7x!tpu.dma_semaphore, #tpu.memory_space<semaphore_mem>> -> memref<1x!tpu.dma_semaphore, #tpu.memory_space<semaphore_mem>>
      %dma_start3A_136 = tpu.memref_squeeze %dma_start3A_135 : memref<1x!tpu.dma_semaphore, #tpu.memory_space<semaphore_mem>> -> memref<!tpu.dma_semaphore, #tpu.memory_space<semaphore_mem>>
      tpu.enqueue_indirect_dma source(%dma_start3A_134 : memref<100000x128xf32, #tpu.memory_space<hbm>>) target(%dma_start3A_130 : memref<128x128xf32, #tpu.memory_space<vmem>>) offsets(%dma_start3A_131 : memref<128xi32, #tpu.memory_space<vmem>>) semaphore(%dma_start3A_136 : memref<!tpu.dma_semaphore, #tpu.memory_space<semaphore_mem>>)
    } else {
    }
    %lt3A_36 = arith.constant 4 : i32
    %lt3A_37 = arith.cmpi slt, %lt3A_36, %select_n3A_9 : i32
    %convert_element_type3A_38 = arith.extui %lt3A_37 : i1 to i32
    %cond3A_39 = arith.constant 4 : i32
    %cond3A_40 = arith.constant 0 : i32
    %cond3A_41 = arith.cmpi ne, %convert_element_type3A_38, %cond3A_40 : i32
    scf.if %cond3A_41 {
      %rem3A_124 = arith.constant 7 : i32
      %rem3A_125 = arith.remsi %cond3A_39, %rem3A_124 : i32
      %mul3A_126 = arith.constant 128 : i32
      %mul3A_127 = arith.muli %cond3A_39, %mul3A_126 : i32
      %dma_start3A = arith.constant 0 : i32
      %dma_start3A_128 = arith.constant 0 : i32
      %dma_start3A_129 = tpu.memref_slice %arg6[%rem3A_125, %dma_start3A, %dma_start3A_128] : memref<7x128x128xf32, #tpu.memory_space<vmem>> -> memref<1x128x128xf32, #tpu.memory_space<vmem>>
      %dma_start3A_130 = tpu.memref_squeeze %dma_start3A_129 : memref<1x128x128xf32, #tpu.memory_space<vmem>> -> memref<128x128xf32, #tpu.memory_space<vmem>>
      %dma_start3A_131 = tpu.memref_slice %arg5[%mul3A_127] : memref<3200xi32, #tpu.memory_space<vmem>> -> memref<128xi32, #tpu.memory_space<vmem>>
      %dma_start3A_132 = arith.constant 0 : i32
      %dma_start3A_133 = arith.constant 0 : i32
      %dma_start3A_134 = tpu.memref_slice %arg3[%dma_start3A_132, %dma_start3A_133] : memref<100000x128xf32, #tpu.memory_space<hbm>> -> memref<100000x128xf32, #tpu.memory_space<hbm>>
      %dma_start3A_135 = tpu.memref_slice %arg7[%rem3A_125] : memref<7x!tpu.dma_semaphore, #tpu.memory_space<semaphore_mem>> -> memref<1x!tpu.dma_semaphore, #tpu.memory_space<semaphore_mem>>
      %dma_start3A_136 = tpu.memref_squeeze %dma_start3A_135 : memref<1x!tpu.dma_semaphore, #tpu.memory_space<semaphore_mem>> -> memref<!tpu.dma_semaphore, #tpu.memory_space<semaphore_mem>>
      tpu.enqueue_indirect_dma source(%dma_start3A_134 : memref<100000x128xf32, #tpu.memory_space<hbm>>) target(%dma_start3A_130 : memref<128x128xf32, #tpu.memory_space<vmem>>) offsets(%dma_start3A_131 : memref<128xi32, #tpu.memory_space<vmem>>) semaphore(%dma_start3A_136 : memref<!tpu.dma_semaphore, #tpu.memory_space<semaphore_mem>>)
    } else {
    }
    %lt3A_42 = arith.constant 5 : i32
    %lt3A_43 = arith.cmpi slt, %lt3A_42, %select_n3A_9 : i32
    %convert_element_type3A_44 = arith.extui %lt3A_43 : i1 to i32
    %cond3A_45 = arith.constant 5 : i32
    %cond3A_46 = arith.constant 0 : i32
    %cond3A_47 = arith.cmpi ne, %convert_element_type3A_44, %cond3A_46 : i32
    scf.if %cond3A_47 {
      %rem3A_124 = arith.constant 7 : i32
      %rem3A_125 = arith.remsi %cond3A_45, %rem3A_124 : i32
      %mul3A_126 = arith.constant 128 : i32
      %mul3A_127 = arith.muli %cond3A_45, %mul3A_126 : i32
      %dma_start3A = arith.constant 0 : i32
      %dma_start3A_128 = arith.constant 0 : i32
      %dma_start3A_129 = tpu.memref_slice %arg6[%rem3A_125, %dma_start3A, %dma_start3A_128] : memref<7x128x128xf32, #tpu.memory_space<vmem>> -> memref<1x128x128xf32, #tpu.memory_space<vmem>>
      %dma_start3A_130 = tpu.memref_squeeze %dma_start3A_129 : memref<1x128x128xf32, #tpu.memory_space<vmem>> -> memref<128x128xf32, #tpu.memory_space<vmem>>
      %dma_start3A_131 = tpu.memref_slice %arg5[%mul3A_127] : memref<3200xi32, #tpu.memory_space<vmem>> -> memref<128xi32, #tpu.memory_space<vmem>>
      %dma_start3A_132 = arith.constant 0 : i32
      %dma_start3A_133 = arith.constant 0 : i32
      %dma_start3A_134 = tpu.memref_slice %arg3[%dma_start3A_132, %dma_start3A_133] : memref<100000x128xf32, #tpu.memory_space<hbm>> -> memref<100000x128xf32, #tpu.memory_space<hbm>>
      %dma_start3A_135 = tpu.memref_slice %arg7[%rem3A_125] : memref<7x!tpu.dma_semaphore, #tpu.memory_space<semaphore_mem>> -> memref<1x!tpu.dma_semaphore, #tpu.memory_space<semaphore_mem>>
      %dma_start3A_136 = tpu.memref_squeeze %dma_start3A_135 : memref<1x!tpu.dma_semaphore, #tpu.memory_space<semaphore_mem>> -> memref<!tpu.dma_semaphore, #tpu.memory_space<semaphore_mem>>
      tpu.enqueue_indirect_dma source(%dma_start3A_134 : memref<100000x128xf32, #tpu.memory_space<hbm>>) target(%dma_start3A_130 : memref<128x128xf32, #tpu.memory_space<vmem>>) offsets(%dma_start3A_131 : memref<128xi32, #tpu.memory_space<vmem>>) semaphore(%dma_start3A_136 : memref<!tpu.dma_semaphore, #tpu.memory_space<semaphore_mem>>)
    } else {
    }
    %lt3A_48 = arith.constant 6 : i32
    %lt3A_49 = arith.cmpi slt, %lt3A_48, %select_n3A_9 : i32
    %convert_element_type3A_50 = arith.extui %lt3A_49 : i1 to i32
    %cond3A_51 = arith.constant 6 : i32
    %cond3A_52 = arith.constant 0 : i32
    %cond3A_53 = arith.cmpi ne, %convert_element_type3A_50, %cond3A_52 : i32
    scf.if %cond3A_53 {
      %rem3A_124 = arith.constant 7 : i32
      %rem3A_125 = arith.remsi %cond3A_51, %rem3A_124 : i32
      %mul3A_126 = arith.constant 128 : i32
      %mul3A_127 = arith.muli %cond3A_51, %mul3A_126 : i32
      %dma_start3A = arith.constant 0 : i32
      %dma_start3A_128 = arith.constant 0 : i32
      %dma_start3A_129 = tpu.memref_slice %arg6[%rem3A_125, %dma_start3A, %dma_start3A_128] : memref<7x128x128xf32, #tpu.memory_space<vmem>> -> memref<1x128x128xf32, #tpu.memory_space<vmem>>
      %dma_start3A_130 = tpu.memref_squeeze %dma_start3A_129 : memref<1x128x128xf32, #tpu.memory_space<vmem>> -> memref<128x128xf32, #tpu.memory_space<vmem>>
      %dma_start3A_131 = tpu.memref_slice %arg5[%mul3A_127] : memref<3200xi32, #tpu.memory_space<vmem>> -> memref<128xi32, #tpu.memory_space<vmem>>
      %dma_start3A_132 = arith.constant 0 : i32
      %dma_start3A_133 = arith.constant 0 : i32
      %dma_start3A_134 = tpu.memref_slice %arg3[%dma_start3A_132, %dma_start3A_133] : memref<100000x128xf32, #tpu.memory_space<hbm>> -> memref<100000x128xf32, #tpu.memory_space<hbm>>
      %dma_start3A_135 = tpu.memref_slice %arg7[%rem3A_125] : memref<7x!tpu.dma_semaphore, #tpu.memory_space<semaphore_mem>> -> memref<1x!tpu.dma_semaphore, #tpu.memory_space<semaphore_mem>>
      %dma_start3A_136 = tpu.memref_squeeze %dma_start3A_135 : memref<1x!tpu.dma_semaphore, #tpu.memory_space<semaphore_mem>> -> memref<!tpu.dma_semaphore, #tpu.memory_space<semaphore_mem>>
      tpu.enqueue_indirect_dma source(%dma_start3A_134 : memref<100000x128xf32, #tpu.memory_space<hbm>>) target(%dma_start3A_130 : memref<128x128xf32, #tpu.memory_space<vmem>>) offsets(%dma_start3A_131 : memref<128xi32, #tpu.memory_space<vmem>>) semaphore(%dma_start3A_136 : memref<!tpu.dma_semaphore, #tpu.memory_space<semaphore_mem>>)
    } else {
    }
    %not3A = arith.constant true
    %not3A_54 = arith.xori %eq3A_11, %not3A : i1
    %convert_element_type3A_55 = arith.extui %not3A_54 : i1 to i32
    %cond3A_56 = arith.constant 0 : i32
    %cond3A_57 = arith.cmpi ne, %convert_element_type3A_55, %cond3A_56 : i32
    scf.if %cond3A_57 {
      %mul3A_124 = arith.constant 128 : i32
      %mul3A_125 = arith.muli %add3A_4, %mul3A_124 : i32
      %add3A_126 = arith.constant 1024 : i32
      %add3A_127 = arith.addi %mul3A_125, %add3A_126 : i32
      "tpu.region"() ({
        %run_scoped3A = tpu.sem_alloc : memref<!tpu.dma_semaphore, #tpu.memory_space<semaphore_mem>>
        %dma_start3A = arith.constant 1024 : i32
        %dma_start3A_128 = tpu.memref_slice %arg5[%dma_start3A] : memref<3200xi32, #tpu.memory_space<vmem>> -> memref<2176xi32, #tpu.memory_space<vmem>>
        %dma_start3A_129 = tpu.memref_slice %arg2[%add3A_127] : memref<100000xi32, #tpu.memory_space<hbm>> -> memref<2176xi32, #tpu.memory_space<hbm>>
        %dma_start3A_130 = arith.constant 1024 : i32
        %dma_start3A_131 = tpu.memref_slice %arg5[%dma_start3A_130] : memref<3200xi32, #tpu.memory_space<vmem>> -> memref<2176xi32, #tpu.memory_space<vmem>>
        %dma_start3A_132 = tpu.memref_slice %arg2[%add3A_127] : memref<100000xi32, #tpu.memory_space<hbm>> -> memref<2176xi32, #tpu.memory_space<hbm>>
        tpu.enqueue_dma source(%dma_start3A_132 : memref<2176xi32, #tpu.memory_space<hbm>>) target(%dma_start3A_131 : memref<2176xi32, #tpu.memory_space<vmem>>) target_semaphore(%run_scoped3A : memref<!tpu.dma_semaphore, #tpu.memory_space<semaphore_mem>>)
        %dma_wait3A_133 = arith.constant 1024 : i32
        %dma_wait3A_134 = tpu.memref_slice %arg5[%dma_wait3A_133] : memref<3200xi32, #tpu.memory_space<vmem>> -> memref<2176xi32, #tpu.memory_space<vmem>>
        %dma_wait3A_135 = tpu.memref_slice %arg2[%add3A_127] : memref<100000xi32, #tpu.memory_space<hbm>> -> memref<2176xi32, #tpu.memory_space<hbm>>
        %dma_wait3A_136 = arith.constant 1024 : i32
        %dma_wait3A_137 = tpu.memref_slice %arg5[%dma_wait3A_136] : memref<3200xi32, #tpu.memory_space<vmem>> -> memref<2176xi32, #tpu.memory_space<vmem>>
        %dma_wait3A_138 = tpu.memref_slice %arg2[%add3A_127] : memref<100000xi32, #tpu.memory_space<hbm>> -> memref<2176xi32, #tpu.memory_space<hbm>>
        tpu.wait_dma2 semaphore(%run_scoped3A : memref<!tpu.dma_semaphore, #tpu.memory_space<semaphore_mem>>) src(%dma_wait3A_138 : memref<2176xi32, #tpu.memory_space<hbm>>) dst(%dma_wait3A_137 : memref<2176xi32, #tpu.memory_space<vmem>>)
        tpu.yield
      }) : () -> ()
    } else {
    }
    %convert_element_type3A_58 = arith.extui %eq3A_11 : i1 to i32
    %cond3A_59 = arith.constant 0 : i32
    %cond3A_60 = arith.cmpi ne, %convert_element_type3A_58, %cond3A_59 : i32
    scf.if %cond3A_60 {
      "tpu.region"() ({
        %run_scoped3A = tpu.sem_alloc : memref<!tpu.dma_semaphore, #tpu.memory_space<semaphore_mem>>
        %dma_start3A = arith.constant 1024 : i32
        %dma_start3A_124 = tpu.memref_slice %arg5[%dma_start3A] : memref<3200xi32, #tpu.memory_space<vmem>> -> memref<1952xi32, #tpu.memory_space<vmem>>
        %dma_start3A_125 = arith.constant 98048 : i32
        %dma_start3A_126 = tpu.memref_slice %arg2[%dma_start3A_125] : memref<100000xi32, #tpu.memory_space<hbm>> -> memref<1952xi32, #tpu.memory_space<hbm>>
        %dma_start3A_127 = arith.constant 1024 : i32
        %dma_start3A_128 = tpu.memref_slice %arg5[%dma_start3A_127] : memref<3200xi32, #tpu.memory_space<vmem>> -> memref<1952xi32, #tpu.memory_space<vmem>>
        %dma_start3A_129 = arith.constant 98048 : i32
        %dma_start3A_130 = tpu.memref_slice %arg2[%dma_start3A_129] : memref<100000xi32, #tpu.memory_space<hbm>> -> memref<1952xi32, #tpu.memory_space<hbm>>
        tpu.enqueue_dma source(%dma_start3A_130 : memref<1952xi32, #tpu.memory_space<hbm>>) target(%dma_start3A_128 : memref<1952xi32, #tpu.memory_space<vmem>>) target_semaphore(%run_scoped3A : memref<!tpu.dma_semaphore, #tpu.memory_space<semaphore_mem>>)
        %dma_wait3A_131 = arith.constant 1024 : i32
        %dma_wait3A_132 = tpu.memref_slice %arg5[%dma_wait3A_131] : memref<3200xi32, #tpu.memory_space<vmem>> -> memref<1952xi32, #tpu.memory_space<vmem>>
        %dma_wait3A_133 = arith.constant 98048 : i32
        %dma_wait3A_134 = tpu.memref_slice %arg2[%dma_wait3A_133] : memref<100000xi32, #tpu.memory_space<hbm>> -> memref<1952xi32, #tpu.memory_space<hbm>>
        %dma_wait3A_135 = arith.constant 1024 : i32
        %dma_wait3A_136 = tpu.memref_slice %arg5[%dma_wait3A_135] : memref<3200xi32, #tpu.memory_space<vmem>> -> memref<1952xi32, #tpu.memory_space<vmem>>
        %dma_wait3A_137 = arith.constant 98048 : i32
        %dma_wait3A_138 = tpu.memref_slice %arg2[%dma_wait3A_137] : memref<100000xi32, #tpu.memory_space<hbm>> -> memref<1952xi32, #tpu.memory_space<hbm>>
        tpu.wait_dma2 semaphore(%run_scoped3A : memref<!tpu.dma_semaphore, #tpu.memory_space<semaphore_mem>>) src(%dma_wait3A_138 : memref<1952xi32, #tpu.memory_space<hbm>>) dst(%dma_wait3A_136 : memref<1952xi32, #tpu.memory_space<vmem>>)
        tpu.yield
      }) : () -> ()
    } else {
    }
    %while3A = arith.constant 0 : i32
    %while3A_61 = arith.constant 0 : i32
    %while3A_62 = arith.subi %select_n3A_9, %while3A_61 : i32
    %while3A_63 = arith.addi %while3A_61, %while3A_62 : i32
    %while3A_64 = arith.constant 1 : i32
    %while3A_65 = arith.divsi %while3A_62, %while3A_64 : i32
    %while3A_66 = arith.muli %while3A_65, %while3A_64 : i32
    %while3A_67 = arith.addi %while3A_61, %while3A_66 : i32
    %while3A_68 = arith.constant 1 : i32
    scf.for %while3A_124 = %while3A_61 to %while3A_67 step %while3A_68  : i32 {
      %ge3A = arith.constant 2 : i32
      %ge3A_125 = arith.cmpi sge, %while3A_124, %ge3A : i32
      %convert_element_type3A_126 = arith.extui %ge3A_125 : i1 to i32
      %cond3A_127 = arith.constant 0 : i32
      %cond3A_128 = arith.cmpi ne, %convert_element_type3A_126, %cond3A_127 : i32
      scf.if %cond3A_128 {
        %sub3A_159 = arith.constant 2 : i32
        %sub3A_160 = arith.subi %while3A_124, %sub3A_159 : i32
        %sub3A_161 = arith.constant 2 : i32
        %sub3A_162 = arith.subi %while3A_124, %sub3A_161 : i32
        %rem3A_163 = arith.constant 7 : i32
        %rem3A_164 = arith.remsi %sub3A_162, %rem3A_163 : i32
        %add3A_165 = arith.addi %add3A_4, %sub3A_160 : i32
        %mul3A_166 = arith.constant 128 : i32
        %mul3A_167 = arith.muli %add3A_165, %mul3A_166 : i32
        %dma_wait3A_168 = arith.constant 0 : i32
        %dma_wait3A_169 = arith.constant 0 : i32
        %dma_wait3A_170 = tpu.memref_slice %arg6[%rem3A_164, %dma_wait3A_168, %dma_wait3A_169] : memref<7x128x128xf32, #tpu.memory_space<vmem>> -> memref<1x128x128xf32, #tpu.memory_space<vmem>>
        %dma_wait3A_171 = tpu.memref_squeeze %dma_wait3A_170 : memref<1x128x128xf32, #tpu.memory_space<vmem>> -> memref<128x128xf32, #tpu.memory_space<vmem>>
        %dma_wait3A_172 = arith.constant 0 : i32
        %dma_wait3A_173 = tpu.memref_slice %arg4[%mul3A_167, %dma_wait3A_172] : memref<100000x128xf32, #tpu.memory_space<hbm>> -> memref<128x128xf32, #tpu.memory_space<hbm>>
        %dma_wait3A_174 = tpu.memref_slice %arg8[%rem3A_164] : memref<7x!tpu.dma_semaphore, #tpu.memory_space<semaphore_mem>> -> memref<1x!tpu.dma_semaphore, #tpu.memory_space<semaphore_mem>>
        %dma_wait3A_175 = tpu.memref_squeeze %dma_wait3A_174 : memref<1x!tpu.dma_semaphore, #tpu.memory_space<semaphore_mem>> -> memref<!tpu.dma_semaphore, #tpu.memory_space<semaphore_mem>>
        %dma_wait3A_176 = arith.constant 0 : i32
        %dma_wait3A_177 = tpu.memref_slice %arg4[%mul3A_167, %dma_wait3A_176] : memref<100000x128xf32, #tpu.memory_space<hbm>> -> memref<128x128xf32, #tpu.memory_space<hbm>>
        %dma_wait3A_178 = arith.constant 0 : i32
        %dma_wait3A_179 = arith.constant 0 : i32
        %dma_wait3A_180 = tpu.memref_slice %arg6[%rem3A_164, %dma_wait3A_178, %dma_wait3A_179] : memref<7x128x128xf32, #tpu.memory_space<vmem>> -> memref<1x128x128xf32, #tpu.memory_space<vmem>>
        %dma_wait3A_181 = tpu.memref_squeeze %dma_wait3A_180 : memref<1x128x128xf32, #tpu.memory_space<vmem>> -> memref<128x128xf32, #tpu.memory_space<vmem>>
        tpu.wait_dma2 semaphore(%dma_wait3A_175 : memref<!tpu.dma_semaphore, #tpu.memory_space<semaphore_mem>>) src(%dma_wait3A_181 : memref<128x128xf32, #tpu.memory_space<vmem>>) dst(%dma_wait3A_177 : memref<128x128xf32, #tpu.memory_space<hbm>>)
        %sub3A_182 = arith.constant 2 : i32
        %sub3A_183 = arith.subi %while3A_124, %sub3A_182 : i32
        %add3A_184 = arith.constant 7 : i32
        %add3A_185 = arith.addi %sub3A_183, %add3A_184 : i32
        %lt3A_186 = arith.cmpi slt, %add3A_185, %select_n3A_9 : i32
        %convert_element_type3A_187 = arith.extui %lt3A_186 : i1 to i32
        %cond3A_188 = arith.constant 0 : i32
        %cond3A_189 = arith.cmpi ne, %convert_element_type3A_187, %cond3A_188 : i32
        scf.if %cond3A_189 {
          %rem3A_190 = arith.constant 7 : i32
          %rem3A_191 = arith.remsi %add3A_185, %rem3A_190 : i32
          %mul3A_192 = arith.constant 128 : i32
          %mul3A_193 = arith.muli %add3A_185, %mul3A_192 : i32
          %dma_start3A_194 = arith.constant 0 : i32
          %dma_start3A_195 = arith.constant 0 : i32
          %dma_start3A_196 = tpu.memref_slice %arg6[%rem3A_191, %dma_start3A_194, %dma_start3A_195] : memref<7x128x128xf32, #tpu.memory_space<vmem>> -> memref<1x128x128xf32, #tpu.memory_space<vmem>>
          %dma_start3A_197 = tpu.memref_squeeze %dma_start3A_196 : memref<1x128x128xf32, #tpu.memory_space<vmem>> -> memref<128x128xf32, #tpu.memory_space<vmem>>
          %dma_start3A_198 = tpu.memref_slice %arg5[%mul3A_193] : memref<3200xi32, #tpu.memory_space<vmem>> -> memref<128xi32, #tpu.memory_space<vmem>>
          %dma_start3A_199 = arith.constant 0 : i32
          %dma_start3A_200 = arith.constant 0 : i32
          %dma_start3A_201 = tpu.memref_slice %arg3[%dma_start3A_199, %dma_start3A_200] : memref<100000x128xf32, #tpu.memory_space<hbm>> -> memref<100000x128xf32, #tpu.memory_space<hbm>>
          %dma_start3A_202 = tpu.memref_slice %arg7[%rem3A_191] : memref<7x!tpu.dma_semaphore, #tpu.memory_space<semaphore_mem>> -> memref<1x!tpu.dma_semaphore, #tpu.memory_space<semaphore_mem>>
          %dma_start3A_203 = tpu.memref_squeeze %dma_start3A_202 : memref<1x!tpu.dma_semaphore, #tpu.memory_space<semaphore_mem>> -> memref<!tpu.dma_semaphore, #tpu.memory_space<semaphore_mem>>
          tpu.enqueue_indirect_dma source(%dma_start3A_201 : memref<100000x128xf32, #tpu.memory_space<hbm>>) target(%dma_start3A_197 : memref<128x128xf32, #tpu.memory_space<vmem>>) offsets(%dma_start3A_198 : memref<128xi32, #tpu.memory_space<vmem>>) semaphore(%dma_start3A_203 : memref<!tpu.dma_semaphore, #tpu.memory_space<semaphore_mem>>)
        } else {
        }
      } else {
      }
      %rem3A_129 = arith.constant 7 : i32
      %rem3A_130 = arith.remsi %while3A_124, %rem3A_129 : i32
      %mul3A_131 = arith.constant 128 : i32
      %mul3A_132 = arith.muli %while3A_124, %mul3A_131 : i32
      %dma_wait3A_133 = arith.constant 0 : i32
      %dma_wait3A_134 = arith.constant 0 : i32
      %dma_wait3A_135 = tpu.memref_slice %arg6[%rem3A_130, %dma_wait3A_133, %dma_wait3A_134] : memref<7x128x128xf32, #tpu.memory_space<vmem>> -> memref<1x128x128xf32, #tpu.memory_space<vmem>>
      %dma_wait3A_136 = tpu.memref_squeeze %dma_wait3A_135 : memref<1x128x128xf32, #tpu.memory_space<vmem>> -> memref<128x128xf32, #tpu.memory_space<vmem>>
      %dma_wait3A_137 = tpu.memref_slice %arg5[%mul3A_132] : memref<3200xi32, #tpu.memory_space<vmem>> -> memref<128xi32, #tpu.memory_space<vmem>>
      %dma_wait3A_138 = arith.constant 0 : i32
      %dma_wait3A_139 = arith.constant 0 : i32
      %dma_wait3A_140 = tpu.memref_slice %arg3[%dma_wait3A_138, %dma_wait3A_139] : memref<100000x128xf32, #tpu.memory_space<hbm>> -> memref<100000x128xf32, #tpu.memory_space<hbm>>
      %dma_wait3A_141 = tpu.memref_slice %arg7[%rem3A_130] : memref<7x!tpu.dma_semaphore, #tpu.memory_space<semaphore_mem>> -> memref<1x!tpu.dma_semaphore, #tpu.memory_space<semaphore_mem>>
      %dma_wait3A_142 = tpu.memref_squeeze %dma_wait3A_141 : memref<1x!tpu.dma_semaphore, #tpu.memory_space<semaphore_mem>> -> memref<!tpu.dma_semaphore, #tpu.memory_space<semaphore_mem>>
      tpu.wait_indirect_dma semaphore(%dma_wait3A_142 : memref<!tpu.dma_semaphore, #tpu.memory_space<semaphore_mem>>) src(%dma_wait3A_140 : memref<100000x128xf32, #tpu.memory_space<hbm>>) dst(%dma_wait3A_136 : memref<128x128xf32, #tpu.memory_space<vmem>>)
      %add3A_143 = arith.addi %add3A_4, %while3A_124 : i32
      %mul3A_144 = arith.constant 128 : i32
      %mul3A_145 = arith.muli %add3A_143, %mul3A_144 : i32
      %dma_start3A = arith.constant 0 : i32
      %dma_start3A_146 = arith.constant 0 : i32
      %dma_start3A_147 = tpu.memref_slice %arg6[%rem3A_130, %dma_start3A, %dma_start3A_146] : memref<7x128x128xf32, #tpu.memory_space<vmem>> -> memref<1x128x128xf32, #tpu.memory_space<vmem>>
      %dma_start3A_148 = tpu.memref_squeeze %dma_start3A_147 : memref<1x128x128xf32, #tpu.memory_space<vmem>> -> memref<128x128xf32, #tpu.memory_space<vmem>>
      %dma_start3A_149 = arith.constant 0 : i32
      %dma_start3A_150 = tpu.memref_slice %arg4[%mul3A_145, %dma_start3A_149] : memref<100000x128xf32, #tpu.memory_space<hbm>> -> memref<128x128xf32, #tpu.memory_space<hbm>>
      %dma_start3A_151 = tpu.memref_slice %arg8[%rem3A_130] : memref<7x!tpu.dma_semaphore, #tpu.memory_space<semaphore_mem>> -> memref<1x!tpu.dma_semaphore, #tpu.memory_space<semaphore_mem>>
      %dma_start3A_152 = tpu.memref_squeeze %dma_start3A_151 : memref<1x!tpu.dma_semaphore, #tpu.memory_space<semaphore_mem>> -> memref<!tpu.dma_semaphore, #tpu.memory_space<semaphore_mem>>
      %dma_start3A_153 = arith.constant 0 : i32
      %dma_start3A_154 = tpu.memref_slice %arg4[%mul3A_145, %dma_start3A_153] : memref<100000x128xf32, #tpu.memory_space<hbm>> -> memref<128x128xf32, #tpu.memory_space<hbm>>
      %dma_start3A_155 = arith.constant 0 : i32
      %dma_start3A_156 = arith.constant 0 : i32
      %dma_start3A_157 = tpu.memref_slice %arg6[%rem3A_130, %dma_start3A_155, %dma_start3A_156] : memref<7x128x128xf32, #tpu.memory_space<vmem>> -> memref<1x128x128xf32, #tpu.memory_space<vmem>>
      %dma_start3A_158 = tpu.memref_squeeze %dma_start3A_157 : memref<1x128x128xf32, #tpu.memory_space<vmem>> -> memref<128x128xf32, #tpu.memory_space<vmem>>
      tpu.enqueue_dma source(%dma_start3A_158 : memref<128x128xf32, #tpu.memory_space<vmem>>) target(%dma_start3A_154 : memref<128x128xf32, #tpu.memory_space<hbm>>) target_semaphore(%dma_start3A_152 : memref<!tpu.dma_semaphore, #tpu.memory_space<semaphore_mem>>)
    }
    %while3A_69 = arith.constant 1 : i32
    scf.for %while3A_124 = %while3A_67 to %while3A_63 step %while3A_69  : i32 {
      %ge3A = arith.constant 2 : i32
      %ge3A_125 = arith.cmpi sge, %while3A_124, %ge3A : i32
      %convert_element_type3A_126 = arith.extui %ge3A_125 : i1 to i32
      %cond3A_127 = arith.constant 0 : i32
      %cond3A_128 = arith.cmpi ne, %convert_element_type3A_126, %cond3A_127 : i32
      scf.if %cond3A_128 {
        %sub3A_159 = arith.constant 2 : i32
        %sub3A_160 = arith.subi %while3A_124, %sub3A_159 : i32
        %sub3A_161 = arith.constant 2 : i32
        %sub3A_162 = arith.subi %while3A_124, %sub3A_161 : i32
        %rem3A_163 = arith.constant 7 : i32
        %rem3A_164 = arith.remsi %sub3A_162, %rem3A_163 : i32
        %add3A_165 = arith.addi %add3A_4, %sub3A_160 : i32
        %mul3A_166 = arith.constant 128 : i32
        %mul3A_167 = arith.muli %add3A_165, %mul3A_166 : i32
        %dma_wait3A_168 = arith.constant 0 : i32
        %dma_wait3A_169 = arith.constant 0 : i32
        %dma_wait3A_170 = tpu.memref_slice %arg6[%rem3A_164, %dma_wait3A_168, %dma_wait3A_169] : memref<7x128x128xf32, #tpu.memory_space<vmem>> -> memref<1x128x128xf32, #tpu.memory_space<vmem>>
        %dma_wait3A_171 = tpu.memref_squeeze %dma_wait3A_170 : memref<1x128x128xf32, #tpu.memory_space<vmem>> -> memref<128x128xf32, #tpu.memory_space<vmem>>
        %dma_wait3A_172 = arith.constant 0 : i32
        %dma_wait3A_173 = tpu.memref_slice %arg4[%mul3A_167, %dma_wait3A_172] : memref<100000x128xf32, #tpu.memory_space<hbm>> -> memref<128x128xf32, #tpu.memory_space<hbm>>
        %dma_wait3A_174 = tpu.memref_slice %arg8[%rem3A_164] : memref<7x!tpu.dma_semaphore, #tpu.memory_space<semaphore_mem>> -> memref<1x!tpu.dma_semaphore, #tpu.memory_space<semaphore_mem>>
        %dma_wait3A_175 = tpu.memref_squeeze %dma_wait3A_174 : memref<1x!tpu.dma_semaphore, #tpu.memory_space<semaphore_mem>> -> memref<!tpu.dma_semaphore, #tpu.memory_space<semaphore_mem>>
        %dma_wait3A_176 = arith.constant 0 : i32
        %dma_wait3A_177 = tpu.memref_slice %arg4[%mul3A_167, %dma_wait3A_176] : memref<100000x128xf32, #tpu.memory_space<hbm>> -> memref<128x128xf32, #tpu.memory_space<hbm>>
        %dma_wait3A_178 = arith.constant 0 : i32
        %dma_wait3A_179 = arith.constant 0 : i32
        %dma_wait3A_180 = tpu.memref_slice %arg6[%rem3A_164, %dma_wait3A_178, %dma_wait3A_179] : memref<7x128x128xf32, #tpu.memory_space<vmem>> -> memref<1x128x128xf32, #tpu.memory_space<vmem>>
        %dma_wait3A_181 = tpu.memref_squeeze %dma_wait3A_180 : memref<1x128x128xf32, #tpu.memory_space<vmem>> -> memref<128x128xf32, #tpu.memory_space<vmem>>
        tpu.wait_dma2 semaphore(%dma_wait3A_175 : memref<!tpu.dma_semaphore, #tpu.memory_space<semaphore_mem>>) src(%dma_wait3A_181 : memref<128x128xf32, #tpu.memory_space<vmem>>) dst(%dma_wait3A_177 : memref<128x128xf32, #tpu.memory_space<hbm>>)
        %sub3A_182 = arith.constant 2 : i32
        %sub3A_183 = arith.subi %while3A_124, %sub3A_182 : i32
        %add3A_184 = arith.constant 7 : i32
        %add3A_185 = arith.addi %sub3A_183, %add3A_184 : i32
        %lt3A_186 = arith.cmpi slt, %add3A_185, %select_n3A_9 : i32
        %convert_element_type3A_187 = arith.extui %lt3A_186 : i1 to i32
        %cond3A_188 = arith.constant 0 : i32
        %cond3A_189 = arith.cmpi ne, %convert_element_type3A_187, %cond3A_188 : i32
        scf.if %cond3A_189 {
          %rem3A_190 = arith.constant 7 : i32
          %rem3A_191 = arith.remsi %add3A_185, %rem3A_190 : i32
          %mul3A_192 = arith.constant 128 : i32
          %mul3A_193 = arith.muli %add3A_185, %mul3A_192 : i32
          %dma_start3A_194 = arith.constant 0 : i32
          %dma_start3A_195 = arith.constant 0 : i32
          %dma_start3A_196 = tpu.memref_slice %arg6[%rem3A_191, %dma_start3A_194, %dma_start3A_195] : memref<7x128x128xf32, #tpu.memory_space<vmem>> -> memref<1x128x128xf32, #tpu.memory_space<vmem>>
          %dma_start3A_197 = tpu.memref_squeeze %dma_start3A_196 : memref<1x128x128xf32, #tpu.memory_space<vmem>> -> memref<128x128xf32, #tpu.memory_space<vmem>>
          %dma_start3A_198 = tpu.memref_slice %arg5[%mul3A_193] : memref<3200xi32, #tpu.memory_space<vmem>> -> memref<128xi32, #tpu.memory_space<vmem>>
          %dma_start3A_199 = arith.constant 0 : i32
          %dma_start3A_200 = arith.constant 0 : i32
          %dma_start3A_201 = tpu.memref_slice %arg3[%dma_start3A_199, %dma_start3A_200] : memref<100000x128xf32, #tpu.memory_space<hbm>> -> memref<100000x128xf32, #tpu.memory_space<hbm>>
          %dma_start3A_202 = tpu.memref_slice %arg7[%rem3A_191] : memref<7x!tpu.dma_semaphore, #tpu.memory_space<semaphore_mem>> -> memref<1x!tpu.dma_semaphore, #tpu.memory_space<semaphore_mem>>
          %dma_start3A_203 = tpu.memref_squeeze %dma_start3A_202 : memref<1x!tpu.dma_semaphore, #tpu.memory_space<semaphore_mem>> -> memref<!tpu.dma_semaphore, #tpu.memory_space<semaphore_mem>>
          tpu.enqueue_indirect_dma source(%dma_start3A_201 : memref<100000x128xf32, #tpu.memory_space<hbm>>) target(%dma_start3A_197 : memref<128x128xf32, #tpu.memory_space<vmem>>) offsets(%dma_start3A_198 : memref<128xi32, #tpu.memory_space<vmem>>) semaphore(%dma_start3A_203 : memref<!tpu.dma_semaphore, #tpu.memory_space<semaphore_mem>>)
        } else {
        }
      } else {
      }
      %rem3A_129 = arith.constant 7 : i32
      %rem3A_130 = arith.remsi %while3A_124, %rem3A_129 : i32
      %mul3A_131 = arith.constant 128 : i32
      %mul3A_132 = arith.muli %while3A_124, %mul3A_131 : i32
      %dma_wait3A_133 = arith.constant 0 : i32
      %dma_wait3A_134 = arith.constant 0 : i32
      %dma_wait3A_135 = tpu.memref_slice %arg6[%rem3A_130, %dma_wait3A_133, %dma_wait3A_134] : memref<7x128x128xf32, #tpu.memory_space<vmem>> -> memref<1x128x128xf32, #tpu.memory_space<vmem>>
      %dma_wait3A_136 = tpu.memref_squeeze %dma_wait3A_135 : memref<1x128x128xf32, #tpu.memory_space<vmem>> -> memref<128x128xf32, #tpu.memory_space<vmem>>
      %dma_wait3A_137 = tpu.memref_slice %arg5[%mul3A_132] : memref<3200xi32, #tpu.memory_space<vmem>> -> memref<128xi32, #tpu.memory_space<vmem>>
      %dma_wait3A_138 = arith.constant 0 : i32
      %dma_wait3A_139 = arith.constant 0 : i32
      %dma_wait3A_140 = tpu.memref_slice %arg3[%dma_wait3A_138, %dma_wait3A_139] : memref<100000x128xf32, #tpu.memory_space<hbm>> -> memref<100000x128xf32, #tpu.memory_space<hbm>>
      %dma_wait3A_141 = tpu.memref_slice %arg7[%rem3A_130] : memref<7x!tpu.dma_semaphore, #tpu.memory_space<semaphore_mem>> -> memref<1x!tpu.dma_semaphore, #tpu.memory_space<semaphore_mem>>
      %dma_wait3A_142 = tpu.memref_squeeze %dma_wait3A_141 : memref<1x!tpu.dma_semaphore, #tpu.memory_space<semaphore_mem>> -> memref<!tpu.dma_semaphore, #tpu.memory_space<semaphore_mem>>
      tpu.wait_indirect_dma semaphore(%dma_wait3A_142 : memref<!tpu.dma_semaphore, #tpu.memory_space<semaphore_mem>>) src(%dma_wait3A_140 : memref<100000x128xf32, #tpu.memory_space<hbm>>) dst(%dma_wait3A_136 : memref<128x128xf32, #tpu.memory_space<vmem>>)
      %add3A_143 = arith.addi %add3A_4, %while3A_124 : i32
      %mul3A_144 = arith.constant 128 : i32
      %mul3A_145 = arith.muli %add3A_143, %mul3A_144 : i32
      %dma_start3A = arith.constant 0 : i32
      %dma_start3A_146 = arith.constant 0 : i32
      %dma_start3A_147 = tpu.memref_slice %arg6[%rem3A_130, %dma_start3A, %dma_start3A_146] : memref<7x128x128xf32, #tpu.memory_space<vmem>> -> memref<1x128x128xf32, #tpu.memory_space<vmem>>
      %dma_start3A_148 = tpu.memref_squeeze %dma_start3A_147 : memref<1x128x128xf32, #tpu.memory_space<vmem>> -> memref<128x128xf32, #tpu.memory_space<vmem>>
      %dma_start3A_149 = arith.constant 0 : i32
      %dma_start3A_150 = tpu.memref_slice %arg4[%mul3A_145, %dma_start3A_149] : memref<100000x128xf32, #tpu.memory_space<hbm>> -> memref<128x128xf32, #tpu.memory_space<hbm>>
      %dma_start3A_151 = tpu.memref_slice %arg8[%rem3A_130] : memref<7x!tpu.dma_semaphore, #tpu.memory_space<semaphore_mem>> -> memref<1x!tpu.dma_semaphore, #tpu.memory_space<semaphore_mem>>
      %dma_start3A_152 = tpu.memref_squeeze %dma_start3A_151 : memref<1x!tpu.dma_semaphore, #tpu.memory_space<semaphore_mem>> -> memref<!tpu.dma_semaphore, #tpu.memory_space<semaphore_mem>>
      %dma_start3A_153 = arith.constant 0 : i32
      %dma_start3A_154 = tpu.memref_slice %arg4[%mul3A_145, %dma_start3A_153] : memref<100000x128xf32, #tpu.memory_space<hbm>> -> memref<128x128xf32, #tpu.memory_space<hbm>>
      %dma_start3A_155 = arith.constant 0 : i32
      %dma_start3A_156 = arith.constant 0 : i32
      %dma_start3A_157 = tpu.memref_slice %arg6[%rem3A_130, %dma_start3A_155, %dma_start3A_156] : memref<7x128x128xf32, #tpu.memory_space<vmem>> -> memref<1x128x128xf32, #tpu.memory_space<vmem>>
      %dma_start3A_158 = tpu.memref_squeeze %dma_start3A_157 : memref<1x128x128xf32, #tpu.memory_space<vmem>> -> memref<128x128xf32, #tpu.memory_space<vmem>>
      tpu.enqueue_dma source(%dma_start3A_158 : memref<128x128xf32, #tpu.memory_space<vmem>>) target(%dma_start3A_154 : memref<128x128xf32, #tpu.memory_space<hbm>>) target_semaphore(%dma_start3A_152 : memref<!tpu.dma_semaphore, #tpu.memory_space<semaphore_mem>>)
    }
    %sub3A = arith.constant 2 : i32
    %sub3A_70 = arith.subi %select_n3A_9, %sub3A : i32
    %add3A_71 = arith.constant 0 : i32
    %add3A_72 = arith.addi %sub3A_70, %add3A_71 : i32
    %sub3A_73 = arith.constant 2 : i32
    %sub3A_74 = arith.subi %select_n3A_9, %sub3A_73 : i32
    %add3A_75 = arith.constant 0 : i32
    %add3A_76 = arith.addi %sub3A_74, %add3A_75 : i32
    %rem3A = arith.constant 7 : i32
    %rem3A_77 = arith.remsi %add3A_76, %rem3A : i32
    %add3A_78 = arith.addi %add3A_4, %add3A_72 : i32
    %mul3A_79 = arith.constant 128 : i32
    %mul3A_80 = arith.muli %add3A_78, %mul3A_79 : i32
    %dma_wait3A = arith.constant 0 : i32
    %dma_wait3A_81 = arith.constant 0 : i32
    %dma_wait3A_82 = tpu.memref_slice %arg6[%rem3A_77, %dma_wait3A, %dma_wait3A_81] : memref<7x128x128xf32, #tpu.memory_space<vmem>> -> memref<1x128x128xf32, #tpu.memory_space<vmem>>
    %dma_wait3A_83 = tpu.memref_squeeze %dma_wait3A_82 : memref<1x128x128xf32, #tpu.memory_space<vmem>> -> memref<128x128xf32, #tpu.memory_space<vmem>>
    %dma_wait3A_84 = arith.constant 0 : i32
    %dma_wait3A_85 = tpu.memref_slice %arg4[%mul3A_80, %dma_wait3A_84] : memref<100000x128xf32, #tpu.memory_space<hbm>> -> memref<128x128xf32, #tpu.memory_space<hbm>>
    %dma_wait3A_86 = tpu.memref_slice %arg8[%rem3A_77] : memref<7x!tpu.dma_semaphore, #tpu.memory_space<semaphore_mem>> -> memref<1x!tpu.dma_semaphore, #tpu.memory_space<semaphore_mem>>
    %dma_wait3A_87 = tpu.memref_squeeze %dma_wait3A_86 : memref<1x!tpu.dma_semaphore, #tpu.memory_space<semaphore_mem>> -> memref<!tpu.dma_semaphore, #tpu.memory_space<semaphore_mem>>
    %dma_wait3A_88 = arith.constant 0 : i32
    %dma_wait3A_89 = tpu.memref_slice %arg4[%mul3A_80, %dma_wait3A_88] : memref<100000x128xf32, #tpu.memory_space<hbm>> -> memref<128x128xf32, #tpu.memory_space<hbm>>
    %dma_wait3A_90 = arith.constant 0 : i32
    %dma_wait3A_91 = arith.constant 0 : i32
    %dma_wait3A_92 = tpu.memref_slice %arg6[%rem3A_77, %dma_wait3A_90, %dma_wait3A_91] : memref<7x128x128xf32, #tpu.memory_space<vmem>> -> memref<1x128x128xf32, #tpu.memory_space<vmem>>
    %dma_wait3A_93 = tpu.memref_squeeze %dma_wait3A_92 : memref<1x128x128xf32, #tpu.memory_space<vmem>> -> memref<128x128xf32, #tpu.memory_space<vmem>>
    tpu.wait_dma2 semaphore(%dma_wait3A_87 : memref<!tpu.dma_semaphore, #tpu.memory_space<semaphore_mem>>) src(%dma_wait3A_93 : memref<128x128xf32, #tpu.memory_space<vmem>>) dst(%dma_wait3A_89 : memref<128x128xf32, #tpu.memory_space<hbm>>)
    %sub3A_94 = arith.constant 2 : i32
    %sub3A_95 = arith.subi %select_n3A_9, %sub3A_94 : i32
    %add3A_96 = arith.constant 1 : i32
    %add3A_97 = arith.addi %sub3A_95, %add3A_96 : i32
    %sub3A_98 = arith.constant 2 : i32
    %sub3A_99 = arith.subi %select_n3A_9, %sub3A_98 : i32
    %add3A_100 = arith.constant 1 : i32
    %add3A_101 = arith.addi %sub3A_99, %add3A_100 : i32
    %rem3A_102 = arith.constant 7 : i32
    %rem3A_103 = arith.remsi %add3A_101, %rem3A_102 : i32
    %add3A_104 = arith.addi %add3A_4, %add3A_97 : i32
    %mul3A_105 = arith.constant 128 : i32
    %mul3A_106 = arith.muli %add3A_104, %mul3A_105 : i32
    %dma_wait3A_107 = arith.constant 0 : i32
    %dma_wait3A_108 = arith.constant 0 : i32
    %dma_wait3A_109 = tpu.memref_slice %arg6[%rem3A_103, %dma_wait3A_107, %dma_wait3A_108] : memref<7x128x128xf32, #tpu.memory_space<vmem>> -> memref<1x128x128xf32, #tpu.memory_space<vmem>>
    %dma_wait3A_110 = tpu.memref_squeeze %dma_wait3A_109 : memref<1x128x128xf32, #tpu.memory_space<vmem>> -> memref<128x128xf32, #tpu.memory_space<vmem>>
    %dma_wait3A_111 = arith.constant 0 : i32
    %dma_wait3A_112 = tpu.memref_slice %arg4[%mul3A_106, %dma_wait3A_111] : memref<100000x128xf32, #tpu.memory_space<hbm>> -> memref<128x128xf32, #tpu.memory_space<hbm>>
    %dma_wait3A_113 = tpu.memref_slice %arg8[%rem3A_103] : memref<7x!tpu.dma_semaphore, #tpu.memory_space<semaphore_mem>> -> memref<1x!tpu.dma_semaphore, #tpu.memory_space<semaphore_mem>>
    %dma_wait3A_114 = tpu.memref_squeeze %dma_wait3A_113 : memref<1x!tpu.dma_semaphore, #tpu.memory_space<semaphore_mem>> -> memref<!tpu.dma_semaphore, #tpu.memory_space<semaphore_mem>>
    %dma_wait3A_115 = arith.constant 0 : i32
    %dma_wait3A_116 = tpu.memref_slice %arg4[%mul3A_106, %dma_wait3A_115] : memref<100000x128xf32, #tpu.memory_space<hbm>> -> memref<128x128xf32, #tpu.memory_space<hbm>>
    %dma_wait3A_117 = arith.constant 0 : i32
    %dma_wait3A_118 = arith.constant 0 : i32
    %dma_wait3A_119 = tpu.memref_slice %arg6[%rem3A_103, %dma_wait3A_117, %dma_wait3A_118] : memref<7x128x128xf32, #tpu.memory_space<vmem>> -> memref<1x128x128xf32, #tpu.memory_space<vmem>>
    %dma_wait3A_120 = tpu.memref_squeeze %dma_wait3A_119 : memref<1x128x128xf32, #tpu.memory_space<vmem>> -> memref<128x128xf32, #tpu.memory_space<vmem>>
    tpu.wait_dma2 semaphore(%dma_wait3A_114 : memref<!tpu.dma_semaphore, #tpu.memory_space<semaphore_mem>>) src(%dma_wait3A_120 : memref<128x128xf32, #tpu.memory_space<vmem>>) dst(%dma_wait3A_116 : memref<128x128xf32, #tpu.memory_space<hbm>>)
    %convert_element_type3A_121 = arith.extui %eq3A_11 : i1 to i32
    %cond3A_122 = arith.constant 0 : i32
    %cond3A_123 = arith.cmpi ne, %convert_element_type3A_121, %cond3A_122 : i32
    scf.if %cond3A_123 {
      %dma_start3A = arith.constant 0 : i32
      %dma_start3A_124 = arith.constant 0 : i32
      %dma_start3A_125 = arith.constant 0 : i32
      %dma_start3A_126 = arith.constant 0 : i32
      %dma_start3A_127 = tpu.memref_slice %arg6[%dma_start3A, %dma_start3A_125, %dma_start3A_126] : memref<7x128x128xf32, #tpu.memory_space<vmem>> -> memref<1x128x128xf32, #tpu.memory_space<vmem>>
      %dma_start3A_128 = tpu.memref_squeeze %dma_start3A_127 : memref<1x128x128xf32, #tpu.memory_space<vmem>> -> memref<128x128xf32, #tpu.memory_space<vmem>>
      %dma_start3A_129 = arith.constant 0 : i32
      %dma_start3A_130 = arith.constant 0 : i32
      %dma_start3A_131 = tpu.memref_slice %dma_start3A_128[%dma_start3A_129, %dma_start3A_130] : memref<128x128xf32, #tpu.memory_space<vmem>> -> memref<32x128xf32, #tpu.memory_space<vmem>>
      %dma_start3A_132 = arith.constant 2944 : i32
      %dma_start3A_133 = tpu.memref_slice %arg5[%dma_start3A_132] : memref<3200xi32, #tpu.memory_space<vmem>> -> memref<32xi32, #tpu.memory_space<vmem>>
      %dma_start3A_134 = arith.constant 0 : i32
      %dma_start3A_135 = arith.constant 0 : i32
      %dma_start3A_136 = tpu.memref_slice %arg3[%dma_start3A_134, %dma_start3A_135] : memref<100000x128xf32, #tpu.memory_space<hbm>> -> memref<100000x128xf32, #tpu.memory_space<hbm>>
      %dma_start3A_137 = tpu.memref_slice %arg7[%dma_start3A_124] : memref<7x!tpu.dma_semaphore, #tpu.memory_space<semaphore_mem>> -> memref<1x!tpu.dma_semaphore, #tpu.memory_space<semaphore_mem>>
      %dma_start3A_138 = tpu.memref_squeeze %dma_start3A_137 : memref<1x!tpu.dma_semaphore, #tpu.memory_space<semaphore_mem>> -> memref<!tpu.dma_semaphore, #tpu.memory_space<semaphore_mem>>
      tpu.enqueue_indirect_dma source(%dma_start3A_136 : memref<100000x128xf32, #tpu.memory_space<hbm>>) target(%dma_start3A_131 : memref<32x128xf32, #tpu.memory_space<vmem>>) offsets(%dma_start3A_133 : memref<32xi32, #tpu.memory_space<vmem>>) semaphore(%dma_start3A_138 : memref<!tpu.dma_semaphore, #tpu.memory_space<semaphore_mem>>)
      %dma_wait3A_139 = arith.constant 0 : i32
      %dma_wait3A_140 = arith.constant 0 : i32
      %dma_wait3A_141 = arith.constant 0 : i32
      %dma_wait3A_142 = arith.constant 0 : i32
      %dma_wait3A_143 = tpu.memref_slice %arg6[%dma_wait3A_139, %dma_wait3A_141, %dma_wait3A_142] : memref<7x128x128xf32, #tpu.memory_space<vmem>> -> memref<1x128x128xf32, #tpu.memory_space<vmem>>
      %dma_wait3A_144 = tpu.memref_squeeze %dma_wait3A_143 : memref<1x128x128xf32, #tpu.memory_space<vmem>> -> memref<128x128xf32, #tpu.memory_space<vmem>>
      %dma_wait3A_145 = arith.constant 0 : i32
      %dma_wait3A_146 = arith.constant 0 : i32
      %dma_wait3A_147 = tpu.memref_slice %dma_wait3A_144[%dma_wait3A_145, %dma_wait3A_146] : memref<128x128xf32, #tpu.memory_space<vmem>> -> memref<32x128xf32, #tpu.memory_space<vmem>>
      %dma_wait3A_148 = arith.constant 2944 : i32
      %dma_wait3A_149 = tpu.memref_slice %arg5[%dma_wait3A_148] : memref<3200xi32, #tpu.memory_space<vmem>> -> memref<32xi32, #tpu.memory_space<vmem>>
      %dma_wait3A_150 = arith.constant 0 : i32
      %dma_wait3A_151 = arith.constant 0 : i32
      %dma_wait3A_152 = tpu.memref_slice %arg3[%dma_wait3A_150, %dma_wait3A_151] : memref<100000x128xf32, #tpu.memory_space<hbm>> -> memref<100000x128xf32, #tpu.memory_space<hbm>>
      %dma_wait3A_153 = tpu.memref_slice %arg7[%dma_wait3A_140] : memref<7x!tpu.dma_semaphore, #tpu.memory_space<semaphore_mem>> -> memref<1x!tpu.dma_semaphore, #tpu.memory_space<semaphore_mem>>
      %dma_wait3A_154 = tpu.memref_squeeze %dma_wait3A_153 : memref<1x!tpu.dma_semaphore, #tpu.memory_space<semaphore_mem>> -> memref<!tpu.dma_semaphore, #tpu.memory_space<semaphore_mem>>
      tpu.wait_indirect_dma semaphore(%dma_wait3A_154 : memref<!tpu.dma_semaphore, #tpu.memory_space<semaphore_mem>>) src(%dma_wait3A_152 : memref<100000x128xf32, #tpu.memory_space<hbm>>) dst(%dma_wait3A_147 : memref<32x128xf32, #tpu.memory_space<vmem>>)
      %run_scoped3A = arith.constant 0 : i32
      "tpu.region"() ({
        %run_scoped3A_155 = tpu.sem_alloc : memref<!tpu.dma_semaphore, #tpu.memory_space<semaphore_mem>>
        %dma_start3A_156 = arith.constant 0 : i32
        %dma_start3A_157 = arith.constant 0 : i32
        %dma_start3A_158 = tpu.memref_slice %arg6[%run_scoped3A, %dma_start3A_156, %dma_start3A_157] : memref<7x128x128xf32, #tpu.memory_space<vmem>> -> memref<1x128x128xf32, #tpu.memory_space<vmem>>
        %dma_start3A_159 = tpu.memref_squeeze %dma_start3A_158 : memref<1x128x128xf32, #tpu.memory_space<vmem>> -> memref<128x128xf32, #tpu.memory_space<vmem>>
        %dma_start3A_160 = arith.constant 0 : i32
        %dma_start3A_161 = arith.constant 0 : i32
        %dma_start3A_162 = tpu.memref_slice %dma_start3A_159[%dma_start3A_160, %dma_start3A_161] : memref<128x128xf32, #tpu.memory_space<vmem>> -> memref<32x128xf32, #tpu.memory_space<vmem>>
        %dma_start3A_163 = arith.constant 99968 : i32
        %dma_start3A_164 = arith.constant 0 : i32
        %dma_start3A_165 = tpu.memref_slice %arg4[%dma_start3A_163, %dma_start3A_164] : memref<100000x128xf32, #tpu.memory_space<hbm>> -> memref<32x128xf32, #tpu.memory_space<hbm>>
        %dma_start3A_166 = arith.constant 99968 : i32
        %dma_start3A_167 = arith.constant 0 : i32
        %dma_start3A_168 = tpu.memref_slice %arg4[%dma_start3A_166, %dma_start3A_167] : memref<100000x128xf32, #tpu.memory_space<hbm>> -> memref<32x128xf32, #tpu.memory_space<hbm>>
        %dma_start3A_169 = arith.constant 0 : i32
        %dma_start3A_170 = arith.constant 0 : i32
        %dma_start3A_171 = tpu.memref_slice %arg6[%run_scoped3A, %dma_start3A_169, %dma_start3A_170] : memref<7x128x128xf32, #tpu.memory_space<vmem>> -> memref<1x128x128xf32, #tpu.memory_space<vmem>>
        %dma_start3A_172 = tpu.memref_squeeze %dma_start3A_171 : memref<1x128x128xf32, #tpu.memory_space<vmem>> -> memref<128x128xf32, #tpu.memory_space<vmem>>
        %dma_start3A_173 = arith.constant 0 : i32
        %dma_start3A_174 = arith.constant 0 : i32
        %dma_start3A_175 = tpu.memref_slice %dma_start3A_172[%dma_start3A_173, %dma_start3A_174] : memref<128x128xf32, #tpu.memory_space<vmem>> -> memref<32x128xf32, #tpu.memory_space<vmem>>
        tpu.enqueue_dma source(%dma_start3A_175 : memref<32x128xf32, #tpu.memory_space<vmem>>) target(%dma_start3A_168 : memref<32x128xf32, #tpu.memory_space<hbm>>) target_semaphore(%run_scoped3A_155 : memref<!tpu.dma_semaphore, #tpu.memory_space<semaphore_mem>>)
        %dma_wait3A_176 = arith.constant 0 : i32
        %dma_wait3A_177 = arith.constant 0 : i32
        %dma_wait3A_178 = tpu.memref_slice %arg6[%run_scoped3A, %dma_wait3A_176, %dma_wait3A_177] : memref<7x128x128xf32, #tpu.memory_space<vmem>> -> memref<1x128x128xf32, #tpu.memory_space<vmem>>
        %dma_wait3A_179 = tpu.memref_squeeze %dma_wait3A_178 : memref<1x128x128xf32, #tpu.memory_space<vmem>> -> memref<128x128xf32, #tpu.memory_space<vmem>>
        %dma_wait3A_180 = arith.constant 0 : i32
        %dma_wait3A_181 = arith.constant 0 : i32
        %dma_wait3A_182 = tpu.memref_slice %dma_wait3A_179[%dma_wait3A_180, %dma_wait3A_181] : memref<128x128xf32, #tpu.memory_space<vmem>> -> memref<32x128xf32, #tpu.memory_space<vmem>>
        %dma_wait3A_183 = arith.constant 99968 : i32
        %dma_wait3A_184 = arith.constant 0 : i32
        %dma_wait3A_185 = tpu.memref_slice %arg4[%dma_wait3A_183, %dma_wait3A_184] : memref<100000x128xf32, #tpu.memory_space<hbm>> -> memref<32x128xf32, #tpu.memory_space<hbm>>
        %dma_wait3A_186 = arith.constant 99968 : i32
        %dma_wait3A_187 = arith.constant 0 : i32
        %dma_wait3A_188 = tpu.memref_slice %arg4[%dma_wait3A_186, %dma_wait3A_187] : memref<100000x128xf32, #tpu.memory_space<hbm>> -> memref<32x128xf32, #tpu.memory_space<hbm>>
        %dma_wait3A_189 = arith.constant 0 : i32
        %dma_wait3A_190 = arith.constant 0 : i32
        %dma_wait3A_191 = tpu.memref_slice %arg6[%run_scoped3A, %dma_wait3A_189, %dma_wait3A_190] : memref<7x128x128xf32, #tpu.memory_space<vmem>> -> memref<1x128x128xf32, #tpu.memory_space<vmem>>
        %dma_wait3A_192 = tpu.memref_squeeze %dma_wait3A_191 : memref<1x128x128xf32, #tpu.memory_space<vmem>> -> memref<128x128xf32, #tpu.memory_space<vmem>>
        %dma_wait3A_193 = arith.constant 0 : i32
        %dma_wait3A_194 = arith.constant 0 : i32
        %dma_wait3A_195 = tpu.memref_slice %dma_wait3A_192[%dma_wait3A_193, %dma_wait3A_194] : memref<128x128xf32, #tpu.memory_space<vmem>> -> memref<32x128xf32, #tpu.memory_space<vmem>>
        tpu.wait_dma2 semaphore(%run_scoped3A_155 : memref<!tpu.dma_semaphore, #tpu.memory_space<semaphore_mem>>) src(%dma_wait3A_195 : memref<32x128xf32, #tpu.memory_space<vmem>>) dst(%dma_wait3A_188 : memref<32x128xf32, #tpu.memory_space<hbm>>)
        tpu.yield
      }) : () -> ()
    } else {
    }
    return
  }
}

</mosaic_0001>

<sc_bundles>
// kernel: kernel.3.cloned.1.call-start
scs
__scs_entry_jumppad:
0x0: {  	(pc) =	sbr.rel $0x88, $3  }
0x1: {  	(tag) =	ssettag $0x0;
	lr =	simm.s32 $0x1  }
0x2: {  	[smem:$0x3F9F] =	sst lr;
	_ =	strace $0xD0000000  }
0x3: {  	_ = 	snop  }
0x4: {  	_ = 	snop  }
0x5: {  	_ = 	snop  }
0x6: {  	_ = 	snop  }
0x7: {  	_ = 	snop  }
__scs_overlays_trampoline_lowered:
0x8: {  	[smem:$0x3FAE] =	sst s0  }
0x9: {  	[smem:$0x3FAF] =	sst s1  }
0xa: {  	[smem:$0x3FB0] =	sst s2  }
0xb: {  	[smem:$0x3FB1] =	sst s3  }
0xc: {  	[smem:$0x3FB2] =	sst s4  }
0xd: {  	[smem:$0x3FB3] =	sst s5  }
0xe: {  	[smem:$0x3FB4] =	sst s6  }
0xf: {  	[smem:$0x3FB5] =	sst s7  }
0x10: {  	[smem:$0x3FB6] =	sst s8  }
0x11: {  	[smem:$0x3FB7] =	sst s9;
	s0 =	simm.s32 @!p0 $0x0  }
0x12: {  	s1 =	sld [smem:$0x3F9D];
	s0 =	simm.s32 @p0 $0x1  }
0x13: {  	[smem:$0x3FB8] =	sst s0;
	s0 =	simm.s32 @!p1 $0x0  }
0x14: {  	s2 =	sld [smem:$0x3F9C];
	s0 =	simm.s32 @p1 $0x1  }
0x15: {  	[smem:$0x3FB9] =	sst s0;
	s0 =	simm.s32 @!p2 $0x0  }
0x16: {  	s3 =	sld [smem:$0x3FDB];
	s0 =	simm.s32 @p2 $0x1  }
0x17: {  	s4 =	simm.s32 $0x1BF5;
	[smem:$0x3FBB] =	sst s0  }
0x18: {  	s0 =	sld [smem:$0x3F9E];
	_ =	swait.ge [sflag:s4], $0x0  }
0x19: {  	s7 =	sld [smem:$0x3F9F]  }
0x1a: {  	s8 =	sadd.s32 $0xFFFFE003, lr  }
0x1b: {  	s9 =	sadd.s32 $0xFFFFFEF7, lr;
	s5 =	simm.s32 $0xFFFFFFFF;
	p2 =	slt.u32 s8, $0xFFFFF086  }
0x1c: {  	p1 =	slt.u32 s9, $0xF7A;
	s5 =	simm.s32 @!p2 $0x0  }
0x1d: {  	s5 =	simm.s32 @p1 $0x1;
	p0 =	seq.s32 s7, s2  }
0x1e: {  	s7 =	smul.u32 @!p0 $0xF7A, s2;
	p2 =	seq.s32 @!p0 s5, $0x0  }
0x1f: {  	s9 =	smul.u32 $0xF7A, s1;
	s8 =	simm.s32 @!p0 $0x1BF5;
	p2 =	por !p2, p0  }
0x20: {  	[sflag:s8] =	ssyncset.s32 @!p0 $0xFFFFF086;
	s6 =	sadd.s32 @!p0 s3, s7;
	s7 =	simm.s32 @!p0 $0x108  }
0x21: {  	s3 =	sadd.s32 s3, s9;
	s6 =	sadd.s32 @!p0 $0x88, s6;
	s7 =	simm.s32 @p2 $0x1082  }
0x22: {  	[simem:s7], [sflag:s8] =	dma.local @!p0 [hbm:s6], $0xF7A  }
0x23: {  	s9 =	sor.u32 $0xD0000000, s2;
	s6 =	simm.s32 $0x108;
	_ =	swait.ge @!p0 [sflag:s8], $0x0  }
0x24: {  	s3 =	sadd.s32 $0x88, s3;
	s6 =	simm.s32 @!p1 $0x1082;
	[sflag:s4] =	ssyncset.s32 $0xFFFFF086  }
0x25: {  	[simem:s6], [sflag:s4] =	dma.local [hbm:s3], $0xF7A  }
0x26: {  	[smem:$0x3F9F] =	sst s1;
	(tag) =	ssettag s2;
	_ =	strace s9  }
0x27: {  	s1 =	sld [smem:$0x3FAF]  }
0x28: {  	s2 =	sld [smem:$0x3FB0]  }
0x29: {  	s4 =	sld [smem:$0x3FB2]  }
0x2a: {  	p0 =	seq.s32 s5, $0x0;
	s5 =	sld [smem:$0x3FB3]  }
0x2b: {  	s6 =	sld [smem:$0x3FB4]  }
0x2c: {  	s7 =	sld [smem:$0x3FB5]  }
0x2d: {  	s3 =	simm.s32 $0x108;
	s8 =	sld [smem:$0x3FB6]  }
0x2e: {  	s3 =	simm.s32 @!p0 $0x1082;
	s9 =	sld [smem:$0x3FB7]  }
0x2f: {  	lr =	sadd.s32 s0, s3;
	s0 =	sld [smem:$0x3FAE]  }
0x30: {  	s3 =	sld [smem:$0x3FB1]  }
0x31: {  	[smem:$0x3FBA] =	sst s10  }
0x32: {  	s10 =	sld [smem:$0x3FB8];
	_ =	sdelay $0x3  }
0x33: {  	p0 =	seq.s32 s10, $0x1;
	s10 =	sld [smem:$0x3FBA];
	_ =	sdelay $0x3  }
0x34: {  	[smem:$0x3FBA] =	sst s10  }
0x35: {  	s10 =	sld [smem:$0x3FB9];
	_ =	sdelay $0x3  }
0x36: {  	p1 =	seq.s32 s10, $0x1;
	s10 =	sld [smem:$0x3FBA];
	_ =	sdelay $0x3  }
0x37: {  	[smem:$0x3FBA] =	sst s10  }
0x38: {  	s10 =	sld [smem:$0x3FBB]  }
0x39: {  	_ = 	snop;
	(pc) =	sbr.ind lr, $3  }
0x3a: {  	_ = 	snop  }
0x3b: {  	_ = 	snop  }
0x3c: {  	p2 =	seq.s32 s10, $0x1;
	s10 =	sld [smem:$0x3FBA]  }
0x3d: {  	_ =	shalt  }
0x3e: {  	_ =	shalt  }
0x3f: {  	_ =	shalt  }
0x40: {  	_ =	shalt  }
0x41: {  	_ =	shalt  }
0x42: {  	_ =	shalt  }
0x43: {  	_ =	shalt  }
0x44: {  	_ =	shalt  }
0x45: {  	_ =	shalt  }
0x46: {  	_ =	shalt  }
0x47: {  	_ =	shalt  }
0x48: {  	_ =	shalt  }
0x49: {  	_ =	shalt  }
0x4a: {  	_ =	shalt  }
0x4b: {  	_ =	shalt  }
0x4c: {  	_ =	shalt  }
0x4d: {  	_ =	shalt  }
0x4e: {  	_ =	shalt  }
0x4f: {  	_ =	shalt  }
0x50: {  	_ =	shalt  }
0x51: {  	_ =	shalt  }
0x52: {  	_ =	shalt  }
0x53: {  	_ =	shalt  }
0x54: {  	_ =	shalt  }
0x55: {  	_ =	shalt  }
0x56: {  	_ =	shalt  }
0x57: {  	_ =	shalt  }
0x58: {  	_ =	shalt  }
0x59: {  	_ =	shalt  }
0x5a: {  	_ =	shalt  }
0x5b: {  	_ =	shalt  }
0x5c: {  	_ =	shalt  }
0x5d: {  	_ =	shalt  }
0x5e: {  	_ =	shalt  }
0x5f: {  	_ =	shalt  }
0x60: {  	_ =	shalt  }
0x61: {  	_ =	shalt  }
0x62: {  	_ =	shalt  }
0x63: {  	_ =	shalt  }
0x64: {  	_ =	shalt  }
0x65: {  	_ =	shalt  }
0x66: {  	_ =	shalt  }
0x67: {  	_ =	shalt  }
0x68: {  	_ =	shalt  }
0x69: {  	_ =	shalt  }
0x6a: {  	_ =	shalt  }
0x6b: {  	_ =	shalt  }
0x6c: {  	_ =	shalt  }
0x6d: {  	_ =	shalt  }
0x6e: {  	_ =	shalt  }
0x6f: {  	_ =	shalt  }
0x70: {  	_ =	shalt  }
0x71: {  	_ =	shalt  }
0x72: {  	_ =	shalt  }
0x73: {  	_ =	shalt  }
0x74: {  	_ =	shalt  }
0x75: {  	_ =	shalt  }
0x76: {  	_ =	shalt  }
0x77: {  	_ =	shalt  }
0x78: {  	_ =	shalt  }
0x79: {  	_ =	shalt  }
0x7a: {  	_ =	shalt  }
0x7b: {  	_ =	shalt  }
0x7c: {  	_ =	shalt  }
0x7d: {  	_ =	shalt  }
0x7e: {  	_ =	shalt  }
0x7f: {  	_ =	shalt  }
0x80: {  	_ =	shalt  }
0x81: {  	_ =	shalt  }
0x82: {  	_ =	shalt  }
0x83: {  	_ =	shalt  }
0x84: {  	_ =	shalt  }
0x85: {  	_ =	shalt  }
0x86: {  	_ =	shalt  }
0x87: {  	_ =	shalt  }
.Lfunc_end0:
.L_simem_size_0:
called_computation_lowered:
.L_overlay_start_0:
0x88: {  	s2 =	sld [smem:$0x3FD9]  }
0x89: {  	s3 =	sld [smem:$0x3FFE];
	_ =	sdelay $0x1  }
0x8a: {  	s1 =	srdreg.scid  }
0x8b: {  	s0 =	sand.u32 $0x1, s1  }
0x8c: {  	s17 =	sshll.u32 s0, $0xA;
	s2 =	sadd.s32 s3, s2  }
0x8d: {  	s2 =	sadd.s32 s2, s17  }
0x8e: {  	[smem:$0x3FC6] =	sst s2  }
0x8f: {  	_ = 	snop  }
0x90: {  	s2 =	sld [smem:$0x3FC8]  }
0x91: {  	s18 =	sld [smem:$0x3FD0];
	(tm) =	ssettm $0x1  }
0x92: {  	s4 =	sld [smem:$0x3FFB];
	_ =	sdelay $0x3  }
0x93: {  	_ =	strace s4  }
0x94: {  	s4 =	sld [smem:$0x3FFC];
	_ =	sdelay $0x3  }
0x95: {  	_ =	strace s4  }
0x96: {  	s4 =	sld [smem:$0x3FFD];
	_ =	sdelay $0x3  }
0x97: {  	_ =	strace s4  }
0x98: {  	_ =	strace $0x8FFFFFFF  }
0x99: {  	s19 =	sld [smem:$0x3FDB];
	_ =	sdelay $0x1  }
0x9a: {  	s5 =	simm.s32 $_scs_section_size  }
0x9b: {  	s6 =	simm.s32 $_size__tile_overlayer_lowered;
	s7 =	simm.s32 $_tile_overlayer_lowered  }
0x9c: {  	s22 =	simm.s32 $0x1BFF;
	s21 =	sshll.u32 s7, $0x1;
	s4 =	sadd.s32 s5, s19  }
0x9d: {  	s8 =	simm.s32 $0x0;
	s20 =	sshll.u32 s6, $0x1;
	s6 =	sadd.s32 s21, s4  }
0x9e: {  	[timem:s8], [sflag:s22] =	dma.local [hbm:s6], s20  }
0x9f: {  	_ =	swait.ge [sflag:s22], s20  }
0xa0: {  	s5 =	ssub.s32 $0x0, s20;
	[sflag:s22] =	ssyncset.done $0x0  }
0xa1: {  	[sflag:s22] =	ssyncadd.s32 s5;
	_ =	sdelay $0x1  }
0xa2: {  	s23 =	simm.s32 $0x1B8B  }
0xa3: {  	_ =	swait.ge [sflag:s23], $0x1  }
0xa4: {  	[sflag:s23] =	ssyncset.done $0x0  }
0xa5: {  	s25 =	simm.s32 $0x1B8E;
	s24 =	sld [smem:$0x3FFE];
	[sflag:s23] =	ssyncadd.s32 $0xFFFFFFFF  }
0xa6: {  	s26 =	simm.s32 $execute0_lowered;
	[smem:$0x3FD2] =	sst s25  }
0xa7: {  	s6 =	sshll.u32 s26, $0x1;
	_ =	strace $0x80000046;
	[dreg:$0x1] =	wrdreg $0xFFFFFFFF  }
0xa8: {  	s28 =	simm.s32 $_size_execute0_lowered;
	s4 =	sadd.s32 s4, s6;
	[dreg:$0x0] =	wrdreg $0x0  }
0xa9: {  	s6 =	sshll.u32 s28, $0x1;
	[dreg:$0x2] =	wrdreg s4  }
0xaa: {  	[dreg:$0x3] =	wrdreg s6  }
0xab: {  	[dreg:$0x4] =	wrdreg $0xC0  }
0xac: {  	_ =	task [dreg:s8], $0x5FFFF  }
0xad: {  	[dreg:$0x1] =	wrdreg $0xFFFFFFFF  }
0xae: {  	[dreg:$0x0] =	wrdreg $0x60  }
0xaf: {  	[dreg:$0x2] =	wrdreg s24  }
0xb0: {  	[dreg:$0x3] =	wrdreg s2  }
0xb1: {  	[dreg:$0x4] =	wrdreg s18  }
0xb2: {  	[dreg:$0x5] =	wrdreg $0x9  }
0xb3: {  	_ =	task.clear_ibuf [dreg:s8], $0x6FFFF;
	_ =	strace $0x90000046  }
0xb4: {  	s29 =	simm.s32 $0x9;
	_ =	strace $0x80000048  }
0xb5: {  	_ =	swait.ge [sflag:s29], $0x1  }
0xb6: {  	[sflag:s29] =	ssyncadd.s32 $0xFFFFFFFF  }
0xb7: {  	_ =	strace $0x90000048  }
0xb8: {  	_ =	sfence  }
0xb9: {  	s30 =	sld [smem:$0x0];
	_ =	sdelay $0x2  }
0xba: {  	s31 =	sshll.u32 s1, $0xD;
	s1 =	sshrl.u32 s1, $0x2  }
0xbb: {  	s3 =	sand.u32 $0x4000, s31;
	s1 =	sadd.s32 s1, s30  }
0xbc: {  	s0 =	sor.u32 s3, s0;
	s1 =	sshll.u32 s1, $0x11  }
0xbd: {  	s0 =	sor.u32 s1, s0  }
0xbe: {  	s0 =	sadd.s32 $0x8F2B, s0  }
0xbf: {  	[sflag:s0] =	ssyncadd.remote.s32 $0x1  }
0xc0: {  	_ =	sfence.sel $0xFFFF  }
0xc1: {  	[dreg:$0x0] =	wrdreg $0xFFFFFFFF;
	(pc) =	sbr.abs _section_cstart, $3  }
0xc2: {  	[dreg:$0x1] =	wrdreg $0xFFFFFFFF  }
0xc3: {  	_ =	task.clear_ibuf [dreg:s8], $0x2FFFF;
	_ =	strace $0x9FFFFFFF  }
0xc4: {  	(tm) =	ssettm $0x7FFFFFFF  }
0xc5: {  	_ =	shalt  }
tec
execute0_lowered:
.L_overlay_start_1:
0x0: {  	(tag) =	ssettag $0x1  }
0x1: {  	s0 =	rddreg [dreg:$0x0];
	s2 =	srdreg.scid  }
0x2: {  	s15 =	stileid.u32;
	s1 =	rddreg [dreg:$0x1]  }
0x3: {  	s13 =	rddreg [dreg:$0x2];
	s4 =	simm.s32 $0x0;
	s28 =	simm.s32 $0x0  }
0x4: {  	s2 =	sand.u32 $0x1, s2;
	s3 =	sshll.u32 s15, $0x1;
	p0 =	slt.u32 s15, $0x7  }
0x5: {  	[smem:$0x7FF] =	sst s4;
	s25 =	smul.u32 $0x30, s15;
	s12 =	sor.u32 s2, s3  }
0x6: {  	s3 =	simm.s32 $0x19;
	_ =	strace $0x80000047;
	s6 =	ssub.s32 $0x2, s2  }
0x7: {  	s2 =	smul.u32 $0x18, s2;
	s3 =	simm.s32 @!p0 $0x18;
	p0 =	seq.s32 s12, $0x1F  }
0x8: {  	s7 =	smul.u32 $0x18, s12;
	s8 =	sshrl.u32 s6, $0x1;
	s11 =	smin.u32 s12, $0xE  }
0x9: {  	p1 =	sne.s32 s12, $0x1F;
	s3 =	simm.s32 @p0 $0x17;
	s14 =	ssub.s32 s6, s8  }
0xa: {  	s2 =	sadd.s32 s2, s25;
	s25 =	simm.s32 $0x300;
	s5 =	smul.u32 $0x25, s3  }
0xb: {  	s7 =	sadd.s32 s11, s7;
	s30 =	sadd.s32 s11, s2;
	s11 =	smax.u32 s14, $0x1  }
0xc: {  	s31 =	sshll.u32 s3, $0x2;
	s14 =	simm.s32 $0x80;
	s9 =	sadd.s32 $0xFFFFFFB6, s5  }
0xd: {  	s7 =	sshll.u32 s7, $0x4;
	s5 =	sadd.s32 $0xFFFFFFDB, s5;
	s9 =	sshrl.u32 s9, $0x8  }
0xe: {  	[dreg:$0x4] =	wrdreg s31;
	s10 =	sshrl.u32 s5, $0x8;
	s9 =	smul.u32 $0x7, s9  }
0xf: {  	s5 =	sadd.s32 s0, s7;
	s7 =	sadd.s32 $0x2FE0, s0;
	s23 =	smul.u32 $0x7, s10  }
0x10: {  	s0 =	sshll.u32 s30, $0xB;
	s6 =	sadd.s32 $0x80, s5;
	s24 =	ssub.s32 s3, s9  }
0x11: {  	s0 =	sadd.s32 s0, s13;
	s10 =	sxor.u32 $0xFFFFFFFF, s23;
	s8 =	sadd.s32 $0xFFFFFFFE, s24  }
0x12: {  	s10 =	sadd.s32 s3, s10;
	s24 =	simm.s32 $0x14C80;
	s26 =	sor.u32 $0x8, s8  }
0x13: {  	s29 =	sor.u32 $0x8, s10;
	s10 =	sadd.s32 $0x186800, s13;
	s13 =	simm.s32 $0xF  }
0x14: {  	s8 =	sand.u32 $0xFF, s26;
	s9 =	sand.u32 $0xFF, s29;
	s26 =	simm.s32 $0x18C80  }
.LBB2_1:
0x15: {  	[tilespmem:s4], [sflag:$0xF] =	stream.linear.gather [hbm4b:s5+s4], $0x400, $0x38;
	[tilespmem:$0x1CC80] =	vst v63  }
0x16: {  	_ =	swait.ge [sflag:s13], $0x400  }
0x17: {  	[sflag:s13] =	ssyncset.done $0x0  }
0x18: {  	s2 =	simm.s32 $0xC80;
	[sflag:s13] =	ssyncadd.s32 $0xFFFFFC00  }
0x19: {  	[tilespmem:s2], [sflag:$0x1] =	stream.indirect.gather [hbm4b:s1+s14], $0x80, s4, s14, $0xb8;
	[tilespmem:$0x1CC80] =	vst v63  }
0x1a: {  	s17 =	simm.s32 $0x4C80  }
0x1b: {  	[tilespmem:s17], [sflag:$0x2] =	stream.indirect.gather [hbm4b:s1+s14], $0x80, s14, s14, $0xb8;
	[tilespmem:$0x1CC80] =	vst v63  }
0x1c: {  	s18 =	simm.s32 $0x100;
	s12 =	simm.s32 $0x8C80  }
0x1d: {  	[tilespmem:s12], [sflag:$0x3] =	stream.indirect.gather [hbm4b:s1+s14], $0x80, s18, s14, $0xb8;
	[tilespmem:$0x1CC80] =	vst v63  }
0x1e: {  	s19 =	simm.s32 $0x180;
	s20 =	simm.s32 $0xCC80  }
0x1f: {  	[tilespmem:s20], [sflag:$0x4] =	stream.indirect.gather [hbm4b:s1+s14], $0x80, s19, s14, $0xb8;
	[tilespmem:$0x1CC80] =	vst v63  }
0x20: {  	s21 =	simm.s32 $0x200;
	s22 =	simm.s32 $0x10C80  }
0x21: {  	[tilespmem:s22], [sflag:$0x5] =	stream.indirect.gather [hbm4b:s1+s14], $0x80, s21, s14, $0xb8;
	[tilespmem:$0x1CC80] =	vst v63  }
0x22: {  	s23 =	simm.s32 $0x280  }
0x23: {  	[tilespmem:s24], [sflag:$0x6] =	stream.indirect.gather [hbm4b:s1+s14], $0x80, s23, s14, $0xb8;
	[tilespmem:$0x1CC80] =	vst v63  }
0x24: {  	_ = 	snop  }
0x25: {  	[tilespmem:s26], [sflag:$0x7] =	stream.indirect.gather [hbm4b:s1+s14], $0x80, s25, s14, $0xb8;
	[tilespmem:$0x1CC80] =	vst v63  }
0x26: {  	s2 =	simm.s32 @p0 $0x0;
	s12 =	simm.s32 @p0 $0x400  }
0x27: {  	[tilespmem:s12], [sflag:$0xF] =	stream.linear.gather @p0 [hbm4b:s7+s2], $0x7A0, $0x38;
	[tilespmem:$0x1CC80] =	vst v63  }
0x28: {  	s2 =	simm.s32 @p0 $0xF  }
0x29: {  	_ =	swait.ge @p0 [sflag:s2], $0x7A0  }
0x2a: {  	[sflag:s2] =	ssyncset.done @p0 $0x0  }
0x2b: {  	s12 =	simm.s32 @!p0 $0x400;
	[sflag:s2] =	ssyncadd.s32 @p0 $0xFFFFF860;
	s2 =	simm.s32 @!p0 $0x0  }
0x2c: {  	[tilespmem:s12], [sflag:$0xF] =	stream.linear.gather @!p0 [hbm4b:s6+s2], $0x880, $0x38;
	[tilespmem:$0x1CC80] =	vst v63  }
0x2d: {  	s29 =	simm.s32 $0xFFFFFFFE;
	s30 =	simm.s32 $0x5;
	s2 =	simm.s32 @!p0 $0xF  }
0x2e: {  	s31 =	simm.s32 $0xC80;
	s15 =	simm.s32 $0x14C80;
	_ =	swait.ge @!p0 [sflag:s2], $0x880  }
0x2f: {  	s16 =	simm.s32 $0x0;
	s17 =	simm.s32 $0x0;
	[sflag:s2] =	ssyncset.done @!p0 $0x0  }
0x30: {  	s12 =	smov.u32 s0;
	[sflag:s2] =	ssyncadd.s32 @!p0 $0xFFFFF780;
	s2 =	simm.s32 $0x280  }
.LBB2_2:
0x31: {  	s18 =	smulhi.u32 $0x24924925, s29  }
0x32: {  	s19 =	smulhi.u32 $0x24924925, s30  }
0x33: {  	s20 =	ssub.s32 s29, s18  }
0x34: {  	s21 =	ssub.s32 s30, s19;
	s20 =	sshrl.u32 s20, $0x1  }
0x35: {  	s22 =	sshrl.u32 s21, $0x1;
	s21 =	smulhi.u32 $0x24924925, s17;
	s18 =	sadd.s32 s18, s20  }
0x36: {  	s19 =	sadd.s32 s19, s22;
	s18 =	sshrl.u32 s18, $0x2  }
0x37: {  	s19 =	sshrl.u32 s19, $0x2;
	s22 =	ssub.s32 s17, s21;
	s18 =	smul.u32 $0xFFFFFFE4, s18  }
0x38: {  	s23 =	smul.u32 $0xFFFFFFE4, s19;
	s22 =	sshrl.u32 s22, $0x1  }
0x39: {  	s19 =	smul.u32 $0xFFF90000, s19;
	s21 =	sadd.s32 s21, s22  }
0x3a: {  	s18 =	sshra.s32 s18, $0x2;
	s20 =	sshra.s32 s23, $0x2;
	s23 =	sadd.s32 $0xFFFFFFFB, s30  }
0x3b: {  	s19 =	sshra.s32 s19, $0x2;
	s21 =	sshrl.u32 s21, $0x2;
	p2 =	slt.u32 s23, $0x2  }
0x3c: {  	s18 =	sadd.s32 $0x6, s18;
	s20 =	sadd.s32 $0x6, s20;
	s22 =	sshra.s32 @!p2 s16, $0x2  }
0x3d: {  	s23 =	smul.u32 $0xFFFFFFE4, s21;
	p3 =	sge.u32 @!p2 s30, s3;
	s18 =	sadd.s32 @!p2 s22, s18  }
0x3e: {  	s19 =	sadd.s32 s19, s15;
	p3 =	por p3, p2;
	_ =	swait.ge @!p2 [sflag:s18], $0x4000  }
0x3f: {  	s22 =	sshra.s32 s23, $0x2;
	s23 =	sshra.s32 @!p3 s16, $0x2;
	[sflag:s18] =	ssyncset.done @!p2 $0x0  }
0x40: {  	[sflag:s18] =	ssyncadd.s32 @!p2 $0xFFFFC000;
	s18 =	sadd.s32 @!p3 s23, s20;
	s20 =	simm.s32 @!p3 $0x80  }
0x41: {  	[tilespmem:s19], [sflag:s18] =	stream.indirect.gather @!p3 [hbm4b:s1+s20], $0x80, s2, s20, $0xb8;
	[tilespmem:$0x1CC80] =	vst v63  }
0x42: {  	s19 =	sadd.s32 $0x1, s22;
	s20 =	smul.u32 $0xFFF90000, s21;
	s21 =	sshra.s32 s16, $0x2  }
0x43: {  	s18 =	sadd.s32 s21, s19  }
0x44: {  	s23 =	sadd.s32 $0x8, s22;
	_ =	swait.ge [sflag:s18], $0x4000  }
0x45: {  	s16 =	sadd.s32 $0x4, s16;
	s22 =	sadd.s32 s21, s23;
	s23 =	rddreg [dreg:$0x4]  }
0x46: {  	p2 =	sne.s32 s23, s16  }
.Ltmp0:
0x47: {  	s29 =	sadd.s32 $0x1, s29;
	s17 =	sadd.s32 $0x1, s17;
	(pc) =	sbr.rel @p2 .LBB2_2-.Ltmp0, $4  }
0x48: {  	s15 =	sadd.s32 $0x4000, s15;
	s19 =	sshra.s32 s20, $0x2;
	[sflag:s18] =	ssyncset.done $0x0  }
0x49: {  	s30 =	sadd.s32 $0x1, s30;
	s19 =	sadd.s32 s19, s31;
	[sflag:s18] =	ssyncadd.s32 $0xFFFFC000  }
0x4a: {  	[hbm4b:s12+s4] =	stream.linear.scatter [tilespmem:s19], [sflag:s22], $0x4000, $0x38;
	[tilespmem:$0x1CC80] =	vst v63  }
0x4b: {  	s2 =	sadd.s32 $0x80, s2;
	s31 =	sadd.s32 $0x4000, s31;
	s12 =	sadd.s32 $0x800, s12  }
0x4c: {  	_ =	swait.ge [sflag:s8], $0x4000  }
0x4d: {  	[sflag:s8] =	ssyncset.done $0x0  }
0x4e: {  	[sflag:s8] =	ssyncadd.s32 $0xFFFFC000  }
0x4f: {  	_ =	swait.ge [sflag:s9], $0x4000  }
0x50: {  	s2 =	simm.s32 @!p1 $0x20;
	[sflag:s9] =	ssyncset.done $0x0  }
0x51: {  	s12 =	simm.s32 @!p1 $0xB80;
	s15 =	simm.s32 @!p1 $0xC80;
	[sflag:s9] =	ssyncadd.s32 $0xFFFFC000  }
0x52: {  	[tilespmem:s15], [sflag:$0x1] =	stream.indirect.gather @!p1 [hbm4b:s1+s2], $0x80, s12, s2, $0xb8;
	[tilespmem:$0x1CC80] =	vst v63  }
0x53: {  	s2 =	simm.s32 @!p1 $0x1  }
0x54: {  	_ =	swait.ge @!p1 [sflag:s2], $0x1000  }
0x55: {  	s28 =	sadd.s32 $0x1, s28;
	[sflag:s2] =	ssyncset.done @!p1 $0x0  }
0x56: {  	p2 =	sne.s32 s28, s11;
	[sflag:s2] =	ssyncadd.s32 @!p1 $0xFFFFF000;
	s2 =	simm.s32 @!p1 $0x0  }
0x57: {  	[hbm4b:s10+s2] =	stream.linear.scatter @!p1 [tilespmem:s15], [sflag:$0xF], $0x1000, $0x38;
	[tilespmem:$0x1CC80] =	vst v63  }
.Ltmp1:
0x58: {  	_ = 	snop;
	(pc) =	sbr.rel @p2 .LBB2_1-.Ltmp1, $4  }
0x59: {  	s2 =	simm.s32 @!p1 $0xF  }
0x5a: {  	_ =	swait.ge @!p1 [sflag:s2], $0x1000  }
0x5b: {  	[sflag:s2] =	ssyncset.done @!p1 $0x0  }
0x5c: {  	[sflag:s2] =	ssyncadd.s32 @!p1 $0xFFFFF000  }
0x5d: {  	_ =	sfence.sel $0x180000  }
0x5e: {  	[bflag:$0x0] =	sbarrier.arrive $0xFFFF  }
0x5f: {  	_ =	strace $0x90000047  }
0x60: {  	s0 =	stileid.u32;
	[bflag:$0x2] =	sbarrier.arrive $0xFFFF  }
0x61: {  	p0 =	sne.s32 s0, $0x0;
	s0 =	rddreg [dreg:$0x3]  }
0x62: {  	s0 =	sadd.s32 @!p0 $0x100000, s0  }
0x63: {  	[sflag:s0] =	ssyncadd.tile.s32 @!p0 $0x1;
	_ =	shalt  }
.Lfunc_end2:
_tile_overlayer_lowered:
.L_overlay_start_2:
0x64: {  	(tag) =	ssettag $0x2  }
0x65: {  	s0 =	rddreg [dreg:$0x0];
	s2 =	stileid.u32  }
0x66: {  	s1 =	rddreg [dreg:$0x1];
	p0 =	sne.s32 s2, $0x0  }
0x67: {  	s3 =	rddreg [dreg:$0x2];
	[bflag:$0x3] =	sbarrier.arrive $0xFFFF;
	s2 =	simm.s32 @!p0 $0x1C0F  }
0x68: {  	[timem:s3], [sflag:s2] =	dma.local @!p0 [hbm:s0], s1  }
0x69: {  	s0 =	simm.s32 @!p0 $0xF  }
0x6a: {  	_ =	swait.ge @!p0 [sflag:s0], s1  }
0x6b: {  	s1 =	ssub.s32 @!p0 $0x0, s1;
	[sflag:s0] =	ssyncset.done @!p0 $0x0  }
0x6c: {  	[sflag:s0] =	ssyncadd.s32 @!p0 s1  }
0x6d: {  	[bflag:$0x3] =	sbarrier.arrive $0xFFFF  }
0x6e: {  	_ =	shalt  }

</sc_bundles>
